<compile_context>
chip_gen: v7x
topology: tpu7x:2x2x1
jax: 0.10.2.dev20260603
libtpu: 0.0.44.dev20260713+nightly
codegen_flags: <defaults>
</compile_context>

<pallas_src>
import functools

import jax
import jax.numpy as jnp
from jax import lax
from jax.experimental import pallas as pl
from jax.experimental.pallas import tpu as pltpu
from jax.experimental.pallas import tpu_sc as plsc

D_MODEL = 64
SCALE = 8.0
NC, NS = 2, 16
NW = NC * NS
C = 128
NBUF = 8


def kernel(x, table):
    B, L = x.shape
    n = B * L
    V = table.shape[0]
    per_w = n // NW
    chunks = per_w // C
    groups = chunks // NBUF
    idx = x.reshape(n) * 2
    table_lin = jnp.pad(table, ((0, 0), (0, D_MODEL)))
    table_lin = table_lin.reshape(2 * V, D_MODEL)
    mesh = plsc.VectorSubcoreMesh(core_axis_name="c", subcore_axis_name="s")

    @functools.partial(
        pl.kernel,
        out_type=jax.ShapeDtypeStruct((n, 2 * D_MODEL), jnp.float32),
        mesh=mesh,
        compiler_params=pltpu.CompilerParams(use_tc_tiling_on_sc=False),
        scratch_types=[
            pltpu.VMEM((per_w,), jnp.int32),
            pltpu.VMEM((NBUF, C, D_MODEL), jnp.float32),
            pltpu.SemaphoreType.DMA((NBUF,)),
            pltpu.SemaphoreType.DMA((NBUF,)),
            pltpu.SemaphoreType.DMA,
        ],
    )
    def gather_scale(table_hbm, idx_hbm, out_hbm, idx_v, rows_v, gsem, ssem, isem):
        wid = lax.axis_index("s") * NC + lax.axis_index("c")
        base = pl.multiple_of(wid * per_w, per_w)
        pltpu.async_copy(idx_hbm.at[pl.ds(base, per_w)], idx_v, isem).wait()

        @pl.loop(0, groups)
        def _(g):
            j0 = g * NBUF
            fired = []
            for b in range(NBUF):
                off = pl.multiple_of((j0 + b) * C, C)

                @pl.when(g > 0)
                def _():
                    pltpu.make_async_copy(
                        rows_v.at[b],
                        out_hbm.at[pl.ds(base + off - NBUF * C, C), pl.ds(0, D_MODEL)],
                        ssem.at[b],
                    ).wait()

                fired.append(
                    pltpu.async_copy(
                        table_hbm.at[idx_v.at[pl.ds(off, C)]],
                        rows_v.at[b],
                        gsem.at[b],
                    )
                )
            for b in range(NBUF):
                off = pl.multiple_of((j0 + b) * C, C)
                fired[b].wait()

                @pl.loop(0, C)
                def _(r):
                    for c0 in range(0, D_MODEL, 16):
                        rows_v[b, r, pl.ds(c0, 16)] = (
                            rows_v[b, r, pl.ds(c0, 16)] * SCALE
                        )

                pltpu.async_copy(
                    rows_v.at[b],
                    out_hbm.at[pl.ds(base + off, C), pl.ds(0, D_MODEL)],
                    ssem.at[b],
                )

        for b in range(NBUF):
            off = ((groups - 1) * NBUF + b) * C
            pltpu.make_async_copy(
                rows_v.at[b],
                out_hbm.at[pl.ds(base + off, C), pl.ds(0, D_MODEL)],
                ssem.at[b],
            ).wait()

    out = gather_scale(table_lin, idx)
    return out[:, :D_MODEL].reshape(B, L, D_MODEL)

# --- scband reference (transcript-rebuilt; emitter-appended) ---
"""Pipeline reference for scband-input-embeddings-84189948936389 (READ-ONLY COPY).

The authoritative reference and input builder live on the scoring server;
editing this copy changes nothing except your own understanding.
"""

import jax, jax.numpy as jnp
import numpy as np

D_MODEL = 64
VOCAB = 1000000
B, L = 4096, 200

def setup_inputs(seed: int = 0) -> dict:
    key = jax.random.key(seed)
    k1, k2 = jax.random.split(key)
    x = jax.random.randint(k1, (B, L), 0, VOCAB, dtype=jnp.int32)
    # nn.Embedding weight: N(0,1) init
    table = jax.random.normal(k2, (VOCAB, D_MODEL), dtype=jnp.float32)
    return {"x": x, "table": table}

def reference(x, table):
    # embedding lookup scaled by sqrt(d_model)
    emb = jnp.take(table, x, axis=0)
    return emb * jnp.sqrt(jnp.float32(D_MODEL))

if __name__ == "__main__":
    import jax
    _d = setup_inputs()
    print(jax.jit(kernel)(*tuple(_d.values())))

</pallas_src>

<mosaic_0001>
#map = affine_map<(d0, d1) -> (0, 0)>
#map1 = affine_map<(d0, d1) -> (0)>
module attributes {stable_mosaic.version = 14 : i64} {
  func.func @gather_scale(%arg0: i32, %arg1: i32, %arg2: memref<2000000x64xf32, #tpu.memory_space<hbm>>, %arg3: memref<819200xi32, #tpu.memory_space<hbm>>, %arg4: memref<819200x128xf32, #tpu.memory_space<hbm>>, %arg5: memref<25600xi32, #tpu.memory_space<vmem>>, %arg6: memref<8x128x64xf32, #tpu.memory_space<vmem>>, %arg7: memref<8x!tpu.dma_semaphore, #tpu.memory_space<semaphore_mem>>, %arg8: memref<8x!tpu.dma_semaphore, #tpu.memory_space<semaphore_mem>>, %arg9: memref<!tpu.dma_semaphore, #tpu.memory_space<semaphore_mem>>) attributes {dimension_semantics = [#tpu.dimension_semantics<core_parallel>, #tpu.dimension_semantics<subcore_parallel>], iteration_bounds = array<i64: 2, 16>, scalar_prefetch = 0 : i64, scratch_operands = 5 : i64, tpu.core_type = #tpu.core_type<sc_vector_subcore>, window_params = [{transform_indices = #map}, {transform_indices = #map1}, {transform_indices = #map}]} {
    %mul3A = arith.constant 2 : i32
    %mul3A_0 = arith.muli %arg1, %mul3A : i32
    %add3A = arith.addi %mul3A_0, %arg0 : i32
    %mul3A_1 = arith.constant 25600 : i32
    %mul3A_2 = arith.muli %add3A, %mul3A_1 : i32
    %multiple_of3A = tpu.assume_multiple %mul3A_2, 25600 : i32
    %dma_start3A = tpu.memref_slice %arg3[%multiple_of3A] : memref<819200xi32, #tpu.memory_space<hbm>> -> memref<25600xi32, #tpu.memory_space<hbm>>
    %dma_start3A_3 = tpu.memref_slice %arg3[%multiple_of3A] : memref<819200xi32, #tpu.memory_space<hbm>> -> memref<25600xi32, #tpu.memory_space<hbm>>
    tpu.enqueue_dma source(%dma_start3A_3 : memref<25600xi32, #tpu.memory_space<hbm>>) target(%arg5 : memref<25600xi32, #tpu.memory_space<vmem>>) target_semaphore(%arg9 : memref<!tpu.dma_semaphore, #tpu.memory_space<semaphore_mem>>)
    %dma_wait3A = tpu.memref_slice %arg3[%multiple_of3A] : memref<819200xi32, #tpu.memory_space<hbm>> -> memref<25600xi32, #tpu.memory_space<hbm>>
    %dma_wait3A_4 = tpu.memref_slice %arg3[%multiple_of3A] : memref<819200xi32, #tpu.memory_space<hbm>> -> memref<25600xi32, #tpu.memory_space<hbm>>
    tpu.wait_dma2 semaphore(%arg9 : memref<!tpu.dma_semaphore, #tpu.memory_space<semaphore_mem>>) src(%dma_wait3A_4 : memref<25600xi32, #tpu.memory_space<hbm>>) dst(%arg5 : memref<25600xi32, #tpu.memory_space<vmem>>)
    %scan3A = arith.constant 0 : i32
    %scan3A_5 = arith.constant 25 : i32
    %scan3A_6 = arith.addi %scan3A, %scan3A_5 : i32
    %scan3A_7 = arith.constant 1 : i32
    scf.for %scan3A_153 = %scan3A to %scan3A_6 step %scan3A_7  : i32 {
      %mul3A_154 = arith.constant 1 : i32
      %mul3A_155 = arith.muli %scan3A_153, %mul3A_154 : i32
      %add3A_156 = arith.constant 0 : i32
      %add3A_157 = arith.addi %add3A_156, %mul3A_155 : i32
      %mul3A_158 = arith.constant 8 : i32
      %mul3A_159 = arith.muli %add3A_157, %mul3A_158 : i32
      %add3A_160 = arith.constant 0 : i32
      %add3A_161 = arith.addi %mul3A_159, %add3A_160 : i32
      %mul3A_162 = arith.constant 128 : i32
      %mul3A_163 = arith.muli %add3A_161, %mul3A_162 : i32
      %multiple_of3A_164 = tpu.assume_multiple %mul3A_163, 128 : i32
      %gt3A = arith.constant 0 : i32
      %gt3A_165 = arith.cmpi sgt, %add3A_157, %gt3A : i32
      %convert_element_type3A = arith.extui %gt3A_165 : i1 to i32
      %cond3A = arith.constant 0 : i32
      %cond3A_166 = arith.cmpi ne, %convert_element_type3A, %cond3A : i32
      scf.if %cond3A_166 {
        %add3A_645 = arith.addi %multiple_of3A, %multiple_of3A_164 : i32
        %sub3A = arith.constant 1024 : i32
        %sub3A_646 = arith.subi %add3A_645, %sub3A : i32
        %dma_wait3A_647 = arith.constant 0 : i32
        %dma_wait3A_648 = arith.constant 0 : i32
        %dma_wait3A_649 = arith.constant 0 : i32
        %dma_wait3A_650 = arith.constant 0 : i32
        %dma_wait3A_651 = tpu.memref_slice %arg6[%dma_wait3A_647, %dma_wait3A_649, %dma_wait3A_650] : memref<8x128x64xf32, #tpu.memory_space<vmem>> -> memref<1x128x64xf32, #tpu.memory_space<vmem>>
        %dma_wait3A_652 = tpu.memref_squeeze %dma_wait3A_651 : memref<1x128x64xf32, #tpu.memory_space<vmem>> -> memref<128x64xf32, #tpu.memory_space<vmem>>
        %dma_wait3A_653 = arith.constant 0 : i32
        %dma_wait3A_654 = tpu.memref_slice %arg4[%sub3A_646, %dma_wait3A_653] : memref<819200x128xf32, #tpu.memory_space<hbm>> -> memref<128x64xf32, #tpu.memory_space<hbm>>
        %dma_wait3A_655 = tpu.memref_slice %arg8[%dma_wait3A_648] : memref<8x!tpu.dma_semaphore, #tpu.memory_space<semaphore_mem>> -> memref<1x!tpu.dma_semaphore, #tpu.memory_space<semaphore_mem>>
        %dma_wait3A_656 = tpu.memref_squeeze %dma_wait3A_655 : memref<1x!tpu.dma_semaphore, #tpu.memory_space<semaphore_mem>> -> memref<!tpu.dma_semaphore, #tpu.memory_space<semaphore_mem>>
        %dma_wait3A_657 = arith.constant 0 : i32
        %dma_wait3A_658 = tpu.memref_slice %arg4[%sub3A_646, %dma_wait3A_657] : memref<819200x128xf32, #tpu.memory_space<hbm>> -> memref<128x64xf32, #tpu.memory_space<hbm>>
        %dma_wait3A_659 = arith.constant 0 : i32
        %dma_wait3A_660 = arith.constant 0 : i32
        %dma_wait3A_661 = tpu.memref_slice %arg6[%dma_wait3A_647, %dma_wait3A_659, %dma_wait3A_660] : memref<8x128x64xf32, #tpu.memory_space<vmem>> -> memref<1x128x64xf32, #tpu.memory_space<vmem>>
        %dma_wait3A_662 = tpu.memref_squeeze %dma_wait3A_661 : memref<1x128x64xf32, #tpu.memory_space<vmem>> -> memref<128x64xf32, #tpu.memory_space<vmem>>
        tpu.wait_dma2 semaphore(%dma_wait3A_656 : memref<!tpu.dma_semaphore, #tpu.memory_space<semaphore_mem>>) src(%dma_wait3A_662 : memref<128x64xf32, #tpu.memory_space<vmem>>) dst(%dma_wait3A_658 : memref<128x64xf32, #tpu.memory_space<hbm>>)
      } else {
      }
      %dma_start3A_167 = arith.constant 0 : i32
      %dma_start3A_168 = arith.constant 0 : i32
      %dma_start3A_169 = arith.constant 0 : i32
      %dma_start3A_170 = arith.constant 0 : i32
      %dma_start3A_171 = tpu.memref_slice %arg6[%dma_start3A_167, %dma_start3A_169, %dma_start3A_170] : memref<8x128x64xf32, #tpu.memory_space<vmem>> -> memref<1x128x64xf32, #tpu.memory_space<vmem>>
      %dma_start3A_172 = tpu.memref_squeeze %dma_start3A_171 : memref<1x128x64xf32, #tpu.memory_space<vmem>> -> memref<128x64xf32, #tpu.memory_space<vmem>>
      %dma_start3A_173 = tpu.memref_slice %arg5[%multiple_of3A_164] : memref<25600xi32, #tpu.memory_space<vmem>> -> memref<128xi32, #tpu.memory_space<vmem>>
      %dma_start3A_174 = arith.constant 0 : i32
      %dma_start3A_175 = arith.constant 0 : i32
      %dma_start3A_176 = tpu.memref_slice %arg2[%dma_start3A_174, %dma_start3A_175] : memref<2000000x64xf32, #tpu.memory_space<hbm>> -> memref<2000000x64xf32, #tpu.memory_space<hbm>>
      %dma_start3A_177 = tpu.memref_slice %arg7[%dma_start3A_168] : memref<8x!tpu.dma_semaphore, #tpu.memory_space<semaphore_mem>> -> memref<1x!tpu.dma_semaphore, #tpu.memory_space<semaphore_mem>>
      %dma_start3A_178 = tpu.memref_squeeze %dma_start3A_177 : memref<1x!tpu.dma_semaphore, #tpu.memory_space<semaphore_mem>> -> memref<!tpu.dma_semaphore, #tpu.memory_space<semaphore_mem>>
      tpu.enqueue_indirect_dma source(%dma_start3A_176 : memref<2000000x64xf32, #tpu.memory_space<hbm>>) target(%dma_start3A_172 : memref<128x64xf32, #tpu.memory_space<vmem>>) offsets(%dma_start3A_173 : memref<128xi32, #tpu.memory_space<vmem>>) semaphore(%dma_start3A_178 : memref<!tpu.dma_semaphore, #tpu.memory_space<semaphore_mem>>)
      %add3A_179 = arith.constant 1 : i32
      %add3A_180 = arith.addi %mul3A_159, %add3A_179 : i32
      %mul3A_181 = arith.constant 128 : i32
      %mul3A_182 = arith.muli %add3A_180, %mul3A_181 : i32
      %multiple_of3A_183 = tpu.assume_multiple %mul3A_182, 128 : i32
      %gt3A_184 = arith.constant 0 : i32
      %gt3A_185 = arith.cmpi sgt, %add3A_157, %gt3A_184 : i32
      %convert_element_type3A_186 = arith.extui %gt3A_185 : i1 to i32
      %cond3A_187 = arith.constant 0 : i32
      %cond3A_188 = arith.cmpi ne, %convert_element_type3A_186, %cond3A_187 : i32
      scf.if %cond3A_188 {
        %add3A_645 = arith.addi %multiple_of3A, %multiple_of3A_183 : i32
        %sub3A = arith.constant 1024 : i32
        %sub3A_646 = arith.subi %add3A_645, %sub3A : i32
        %dma_wait3A_647 = arith.constant 1 : i32
        %dma_wait3A_648 = arith.constant 1 : i32
        %dma_wait3A_649 = arith.constant 0 : i32
        %dma_wait3A_650 = arith.constant 0 : i32
        %dma_wait3A_651 = tpu.memref_slice %arg6[%dma_wait3A_647, %dma_wait3A_649, %dma_wait3A_650] : memref<8x128x64xf32, #tpu.memory_space<vmem>> -> memref<1x128x64xf32, #tpu.memory_space<vmem>>
        %dma_wait3A_652 = tpu.memref_squeeze %dma_wait3A_651 : memref<1x128x64xf32, #tpu.memory_space<vmem>> -> memref<128x64xf32, #tpu.memory_space<vmem>>
        %dma_wait3A_653 = arith.constant 0 : i32
        %dma_wait3A_654 = tpu.memref_slice %arg4[%sub3A_646, %dma_wait3A_653] : memref<819200x128xf32, #tpu.memory_space<hbm>> -> memref<128x64xf32, #tpu.memory_space<hbm>>
        %dma_wait3A_655 = tpu.memref_slice %arg8[%dma_wait3A_648] : memref<8x!tpu.dma_semaphore, #tpu.memory_space<semaphore_mem>> -> memref<1x!tpu.dma_semaphore, #tpu.memory_space<semaphore_mem>>
        %dma_wait3A_656 = tpu.memref_squeeze %dma_wait3A_655 : memref<1x!tpu.dma_semaphore, #tpu.memory_space<semaphore_mem>> -> memref<!tpu.dma_semaphore, #tpu.memory_space<semaphore_mem>>
        %dma_wait3A_657 = arith.constant 0 : i32
        %dma_wait3A_658 = tpu.memref_slice %arg4[%sub3A_646, %dma_wait3A_657] : memref<819200x128xf32, #tpu.memory_space<hbm>> -> memref<128x64xf32, #tpu.memory_space<hbm>>
        %dma_wait3A_659 = arith.constant 0 : i32
        %dma_wait3A_660 = arith.constant 0 : i32
        %dma_wait3A_661 = tpu.memref_slice %arg6[%dma_wait3A_647, %dma_wait3A_659, %dma_wait3A_660] : memref<8x128x64xf32, #tpu.memory_space<vmem>> -> memref<1x128x64xf32, #tpu.memory_space<vmem>>
        %dma_wait3A_662 = tpu.memref_squeeze %dma_wait3A_661 : memref<1x128x64xf32, #tpu.memory_space<vmem>> -> memref<128x64xf32, #tpu.memory_space<vmem>>
        tpu.wait_dma2 semaphore(%dma_wait3A_656 : memref<!tpu.dma_semaphore, #tpu.memory_space<semaphore_mem>>) src(%dma_wait3A_662 : memref<128x64xf32, #tpu.memory_space<vmem>>) dst(%dma_wait3A_658 : memref<128x64xf32, #tpu.memory_space<hbm>>)
      } else {
      }
      %dma_start3A_189 = arith.constant 1 : i32
      %dma_start3A_190 = arith.constant 1 : i32
      %dma_start3A_191 = arith.constant 0 : i32
      %dma_start3A_192 = arith.constant 0 : i32
      %dma_start3A_193 = tpu.memref_slice %arg6[%dma_start3A_189, %dma_start3A_191, %dma_start3A_192] : memref<8x128x64xf32, #tpu.memory_space<vmem>> -> memref<1x128x64xf32, #tpu.memory_space<vmem>>
      %dma_start3A_194 = tpu.memref_squeeze %dma_start3A_193 : memref<1x128x64xf32, #tpu.memory_space<vmem>> -> memref<128x64xf32, #tpu.memory_space<vmem>>
      %dma_start3A_195 = tpu.memref_slice %arg5[%multiple_of3A_183] : memref<25600xi32, #tpu.memory_space<vmem>> -> memref<128xi32, #tpu.memory_space<vmem>>
      %dma_start3A_196 = arith.constant 0 : i32
      %dma_start3A_197 = arith.constant 0 : i32
      %dma_start3A_198 = tpu.memref_slice %arg2[%dma_start3A_196, %dma_start3A_197] : memref<2000000x64xf32, #tpu.memory_space<hbm>> -> memref<2000000x64xf32, #tpu.memory_space<hbm>>
      %dma_start3A_199 = tpu.memref_slice %arg7[%dma_start3A_190] : memref<8x!tpu.dma_semaphore, #tpu.memory_space<semaphore_mem>> -> memref<1x!tpu.dma_semaphore, #tpu.memory_space<semaphore_mem>>
      %dma_start3A_200 = tpu.memref_squeeze %dma_start3A_199 : memref<1x!tpu.dma_semaphore, #tpu.memory_space<semaphore_mem>> -> memref<!tpu.dma_semaphore, #tpu.memory_space<semaphore_mem>>
      tpu.enqueue_indirect_dma source(%dma_start3A_198 : memref<2000000x64xf32, #tpu.memory_space<hbm>>) target(%dma_start3A_194 : memref<128x64xf32, #tpu.memory_space<vmem>>) offsets(%dma_start3A_195 : memref<128xi32, #tpu.memory_space<vmem>>) semaphore(%dma_start3A_200 : memref<!tpu.dma_semaphore, #tpu.memory_space<semaphore_mem>>)
      %add3A_201 = arith.constant 2 : i32
      %add3A_202 = arith.addi %mul3A_159, %add3A_201 : i32
      %mul3A_203 = arith.constant 128 : i32
      %mul3A_204 = arith.muli %add3A_202, %mul3A_203 : i32
      %multiple_of3A_205 = tpu.assume_multiple %mul3A_204, 128 : i32
      %gt3A_206 = arith.constant 0 : i32
      %gt3A_207 = arith.cmpi sgt, %add3A_157, %gt3A_206 : i32
      %convert_element_type3A_208 = arith.extui %gt3A_207 : i1 to i32
      %cond3A_209 = arith.constant 0 : i32
      %cond3A_210 = arith.cmpi ne, %convert_element_type3A_208, %cond3A_209 : i32
      scf.if %cond3A_210 {
        %add3A_645 = arith.addi %multiple_of3A, %multiple_of3A_205 : i32
        %sub3A = arith.constant 1024 : i32
        %sub3A_646 = arith.subi %add3A_645, %sub3A : i32
        %dma_wait3A_647 = arith.constant 2 : i32
        %dma_wait3A_648 = arith.constant 2 : i32
        %dma_wait3A_649 = arith.constant 0 : i32
        %dma_wait3A_650 = arith.constant 0 : i32
        %dma_wait3A_651 = tpu.memref_slice %arg6[%dma_wait3A_647, %dma_wait3A_649, %dma_wait3A_650] : memref<8x128x64xf32, #tpu.memory_space<vmem>> -> memref<1x128x64xf32, #tpu.memory_space<vmem>>
        %dma_wait3A_652 = tpu.memref_squeeze %dma_wait3A_651 : memref<1x128x64xf32, #tpu.memory_space<vmem>> -> memref<128x64xf32, #tpu.memory_space<vmem>>
        %dma_wait3A_653 = arith.constant 0 : i32
        %dma_wait3A_654 = tpu.memref_slice %arg4[%sub3A_646, %dma_wait3A_653] : memref<819200x128xf32, #tpu.memory_space<hbm>> -> memref<128x64xf32, #tpu.memory_space<hbm>>
        %dma_wait3A_655 = tpu.memref_slice %arg8[%dma_wait3A_648] : memref<8x!tpu.dma_semaphore, #tpu.memory_space<semaphore_mem>> -> memref<1x!tpu.dma_semaphore, #tpu.memory_space<semaphore_mem>>
        %dma_wait3A_656 = tpu.memref_squeeze %dma_wait3A_655 : memref<1x!tpu.dma_semaphore, #tpu.memory_space<semaphore_mem>> -> memref<!tpu.dma_semaphore, #tpu.memory_space<semaphore_mem>>
        %dma_wait3A_657 = arith.constant 0 : i32
        %dma_wait3A_658 = tpu.memref_slice %arg4[%sub3A_646, %dma_wait3A_657] : memref<819200x128xf32, #tpu.memory_space<hbm>> -> memref<128x64xf32, #tpu.memory_space<hbm>>
        %dma_wait3A_659 = arith.constant 0 : i32
        %dma_wait3A_660 = arith.constant 0 : i32
        %dma_wait3A_661 = tpu.memref_slice %arg6[%dma_wait3A_647, %dma_wait3A_659, %dma_wait3A_660] : memref<8x128x64xf32, #tpu.memory_space<vmem>> -> memref<1x128x64xf32, #tpu.memory_space<vmem>>
        %dma_wait3A_662 = tpu.memref_squeeze %dma_wait3A_661 : memref<1x128x64xf32, #tpu.memory_space<vmem>> -> memref<128x64xf32, #tpu.memory_space<vmem>>
        tpu.wait_dma2 semaphore(%dma_wait3A_656 : memref<!tpu.dma_semaphore, #tpu.memory_space<semaphore_mem>>) src(%dma_wait3A_662 : memref<128x64xf32, #tpu.memory_space<vmem>>) dst(%dma_wait3A_658 : memref<128x64xf32, #tpu.memory_space<hbm>>)
      } else {
      }
      %dma_start3A_211 = arith.constant 2 : i32
      %dma_start3A_212 = arith.constant 2 : i32
      %dma_start3A_213 = arith.constant 0 : i32
      %dma_start3A_214 = arith.constant 0 : i32
      %dma_start3A_215 = tpu.memref_slice %arg6[%dma_start3A_211, %dma_start3A_213, %dma_start3A_214] : memref<8x128x64xf32, #tpu.memory_space<vmem>> -> memref<1x128x64xf32, #tpu.memory_space<vmem>>
      %dma_start3A_216 = tpu.memref_squeeze %dma_start3A_215 : memref<1x128x64xf32, #tpu.memory_space<vmem>> -> memref<128x64xf32, #tpu.memory_space<vmem>>
      %dma_start3A_217 = tpu.memref_slice %arg5[%multiple_of3A_205] : memref<25600xi32, #tpu.memory_space<vmem>> -> memref<128xi32, #tpu.memory_space<vmem>>
      %dma_start3A_218 = arith.constant 0 : i32
      %dma_start3A_219 = arith.constant 0 : i32
      %dma_start3A_220 = tpu.memref_slice %arg2[%dma_start3A_218, %dma_start3A_219] : memref<2000000x64xf32, #tpu.memory_space<hbm>> -> memref<2000000x64xf32, #tpu.memory_space<hbm>>
      %dma_start3A_221 = tpu.memref_slice %arg7[%dma_start3A_212] : memref<8x!tpu.dma_semaphore, #tpu.memory_space<semaphore_mem>> -> memref<1x!tpu.dma_semaphore, #tpu.memory_space<semaphore_mem>>
      %dma_start3A_222 = tpu.memref_squeeze %dma_start3A_221 : memref<1x!tpu.dma_semaphore, #tpu.memory_space<semaphore_mem>> -> memref<!tpu.dma_semaphore, #tpu.memory_space<semaphore_mem>>
      tpu.enqueue_indirect_dma source(%dma_start3A_220 : memref<2000000x64xf32, #tpu.memory_space<hbm>>) target(%dma_start3A_216 : memref<128x64xf32, #tpu.memory_space<vmem>>) offsets(%dma_start3A_217 : memref<128xi32, #tpu.memory_space<vmem>>) semaphore(%dma_start3A_222 : memref<!tpu.dma_semaphore, #tpu.memory_space<semaphore_mem>>)
      %add3A_223 = arith.constant 3 : i32
      %add3A_224 = arith.addi %mul3A_159, %add3A_223 : i32
      %mul3A_225 = arith.constant 128 : i32
      %mul3A_226 = arith.muli %add3A_224, %mul3A_225 : i32
      %multiple_of3A_227 = tpu.assume_multiple %mul3A_226, 128 : i32
      %gt3A_228 = arith.constant 0 : i32
      %gt3A_229 = arith.cmpi sgt, %add3A_157, %gt3A_228 : i32
      %convert_element_type3A_230 = arith.extui %gt3A_229 : i1 to i32
      %cond3A_231 = arith.constant 0 : i32
      %cond3A_232 = arith.cmpi ne, %convert_element_type3A_230, %cond3A_231 : i32
      scf.if %cond3A_232 {
        %add3A_645 = arith.addi %multiple_of3A, %multiple_of3A_227 : i32
        %sub3A = arith.constant 1024 : i32
        %sub3A_646 = arith.subi %add3A_645, %sub3A : i32
        %dma_wait3A_647 = arith.constant 3 : i32
        %dma_wait3A_648 = arith.constant 3 : i32
        %dma_wait3A_649 = arith.constant 0 : i32
        %dma_wait3A_650 = arith.constant 0 : i32
        %dma_wait3A_651 = tpu.memref_slice %arg6[%dma_wait3A_647, %dma_wait3A_649, %dma_wait3A_650] : memref<8x128x64xf32, #tpu.memory_space<vmem>> -> memref<1x128x64xf32, #tpu.memory_space<vmem>>
        %dma_wait3A_652 = tpu.memref_squeeze %dma_wait3A_651 : memref<1x128x64xf32, #tpu.memory_space<vmem>> -> memref<128x64xf32, #tpu.memory_space<vmem>>
        %dma_wait3A_653 = arith.constant 0 : i32
        %dma_wait3A_654 = tpu.memref_slice %arg4[%sub3A_646, %dma_wait3A_653] : memref<819200x128xf32, #tpu.memory_space<hbm>> -> memref<128x64xf32, #tpu.memory_space<hbm>>
        %dma_wait3A_655 = tpu.memref_slice %arg8[%dma_wait3A_648] : memref<8x!tpu.dma_semaphore, #tpu.memory_space<semaphore_mem>> -> memref<1x!tpu.dma_semaphore, #tpu.memory_space<semaphore_mem>>
        %dma_wait3A_656 = tpu.memref_squeeze %dma_wait3A_655 : memref<1x!tpu.dma_semaphore, #tpu.memory_space<semaphore_mem>> -> memref<!tpu.dma_semaphore, #tpu.memory_space<semaphore_mem>>
        %dma_wait3A_657 = arith.constant 0 : i32
        %dma_wait3A_658 = tpu.memref_slice %arg4[%sub3A_646, %dma_wait3A_657] : memref<819200x128xf32, #tpu.memory_space<hbm>> -> memref<128x64xf32, #tpu.memory_space<hbm>>
        %dma_wait3A_659 = arith.constant 0 : i32
        %dma_wait3A_660 = arith.constant 0 : i32
        %dma_wait3A_661 = tpu.memref_slice %arg6[%dma_wait3A_647, %dma_wait3A_659, %dma_wait3A_660] : memref<8x128x64xf32, #tpu.memory_space<vmem>> -> memref<1x128x64xf32, #tpu.memory_space<vmem>>
        %dma_wait3A_662 = tpu.memref_squeeze %dma_wait3A_661 : memref<1x128x64xf32, #tpu.memory_space<vmem>> -> memref<128x64xf32, #tpu.memory_space<vmem>>
        tpu.wait_dma2 semaphore(%dma_wait3A_656 : memref<!tpu.dma_semaphore, #tpu.memory_space<semaphore_mem>>) src(%dma_wait3A_662 : memref<128x64xf32, #tpu.memory_space<vmem>>) dst(%dma_wait3A_658 : memref<128x64xf32, #tpu.memory_space<hbm>>)
      } else {
      }
      %dma_start3A_233 = arith.constant 3 : i32
      %dma_start3A_234 = arith.constant 3 : i32
      %dma_start3A_235 = arith.constant 0 : i32
      %dma_start3A_236 = arith.constant 0 : i32
      %dma_start3A_237 = tpu.memref_slice %arg6[%dma_start3A_233, %dma_start3A_235, %dma_start3A_236] : memref<8x128x64xf32, #tpu.memory_space<vmem>> -> memref<1x128x64xf32, #tpu.memory_space<vmem>>
      %dma_start3A_238 = tpu.memref_squeeze %dma_start3A_237 : memref<1x128x64xf32, #tpu.memory_space<vmem>> -> memref<128x64xf32, #tpu.memory_space<vmem>>
      %dma_start3A_239 = tpu.memref_slice %arg5[%multiple_of3A_227] : memref<25600xi32, #tpu.memory_space<vmem>> -> memref<128xi32, #tpu.memory_space<vmem>>
      %dma_start3A_240 = arith.constant 0 : i32
      %dma_start3A_241 = arith.constant 0 : i32
      %dma_start3A_242 = tpu.memref_slice %arg2[%dma_start3A_240, %dma_start3A_241] : memref<2000000x64xf32, #tpu.memory_space<hbm>> -> memref<2000000x64xf32, #tpu.memory_space<hbm>>
      %dma_start3A_243 = tpu.memref_slice %arg7[%dma_start3A_234] : memref<8x!tpu.dma_semaphore, #tpu.memory_space<semaphore_mem>> -> memref<1x!tpu.dma_semaphore, #tpu.memory_space<semaphore_mem>>
      %dma_start3A_244 = tpu.memref_squeeze %dma_start3A_243 : memref<1x!tpu.dma_semaphore, #tpu.memory_space<semaphore_mem>> -> memref<!tpu.dma_semaphore, #tpu.memory_space<semaphore_mem>>
      tpu.enqueue_indirect_dma source(%dma_start3A_242 : memref<2000000x64xf32, #tpu.memory_space<hbm>>) target(%dma_start3A_238 : memref<128x64xf32, #tpu.memory_space<vmem>>) offsets(%dma_start3A_239 : memref<128xi32, #tpu.memory_space<vmem>>) semaphore(%dma_start3A_244 : memref<!tpu.dma_semaphore, #tpu.memory_space<semaphore_mem>>)
      %add3A_245 = arith.constant 4 : i32
      %add3A_246 = arith.addi %mul3A_159, %add3A_245 : i32
      %mul3A_247 = arith.constant 128 : i32
      %mul3A_248 = arith.muli %add3A_246, %mul3A_247 : i32
      %multiple_of3A_249 = tpu.assume_multiple %mul3A_248, 128 : i32
      %gt3A_250 = arith.constant 0 : i32
      %gt3A_251 = arith.cmpi sgt, %add3A_157, %gt3A_250 : i32
      %convert_element_type3A_252 = arith.extui %gt3A_251 : i1 to i32
      %cond3A_253 = arith.constant 0 : i32
      %cond3A_254 = arith.cmpi ne, %convert_element_type3A_252, %cond3A_253 : i32
      scf.if %cond3A_254 {
        %add3A_645 = arith.addi %multiple_of3A, %multiple_of3A_249 : i32
        %sub3A = arith.constant 1024 : i32
        %sub3A_646 = arith.subi %add3A_645, %sub3A : i32
        %dma_wait3A_647 = arith.constant 4 : i32
        %dma_wait3A_648 = arith.constant 4 : i32
        %dma_wait3A_649 = arith.constant 0 : i32
        %dma_wait3A_650 = arith.constant 0 : i32
        %dma_wait3A_651 = tpu.memref_slice %arg6[%dma_wait3A_647, %dma_wait3A_649, %dma_wait3A_650] : memref<8x128x64xf32, #tpu.memory_space<vmem>> -> memref<1x128x64xf32, #tpu.memory_space<vmem>>
        %dma_wait3A_652 = tpu.memref_squeeze %dma_wait3A_651 : memref<1x128x64xf32, #tpu.memory_space<vmem>> -> memref<128x64xf32, #tpu.memory_space<vmem>>
        %dma_wait3A_653 = arith.constant 0 : i32
        %dma_wait3A_654 = tpu.memref_slice %arg4[%sub3A_646, %dma_wait3A_653] : memref<819200x128xf32, #tpu.memory_space<hbm>> -> memref<128x64xf32, #tpu.memory_space<hbm>>
        %dma_wait3A_655 = tpu.memref_slice %arg8[%dma_wait3A_648] : memref<8x!tpu.dma_semaphore, #tpu.memory_space<semaphore_mem>> -> memref<1x!tpu.dma_semaphore, #tpu.memory_space<semaphore_mem>>
        %dma_wait3A_656 = tpu.memref_squeeze %dma_wait3A_655 : memref<1x!tpu.dma_semaphore, #tpu.memory_space<semaphore_mem>> -> memref<!tpu.dma_semaphore, #tpu.memory_space<semaphore_mem>>
        %dma_wait3A_657 = arith.constant 0 : i32
        %dma_wait3A_658 = tpu.memref_slice %arg4[%sub3A_646, %dma_wait3A_657] : memref<819200x128xf32, #tpu.memory_space<hbm>> -> memref<128x64xf32, #tpu.memory_space<hbm>>
        %dma_wait3A_659 = arith.constant 0 : i32
        %dma_wait3A_660 = arith.constant 0 : i32
        %dma_wait3A_661 = tpu.memref_slice %arg6[%dma_wait3A_647, %dma_wait3A_659, %dma_wait3A_660] : memref<8x128x64xf32, #tpu.memory_space<vmem>> -> memref<1x128x64xf32, #tpu.memory_space<vmem>>
        %dma_wait3A_662 = tpu.memref_squeeze %dma_wait3A_661 : memref<1x128x64xf32, #tpu.memory_space<vmem>> -> memref<128x64xf32, #tpu.memory_space<vmem>>
        tpu.wait_dma2 semaphore(%dma_wait3A_656 : memref<!tpu.dma_semaphore, #tpu.memory_space<semaphore_mem>>) src(%dma_wait3A_662 : memref<128x64xf32, #tpu.memory_space<vmem>>) dst(%dma_wait3A_658 : memref<128x64xf32, #tpu.memory_space<hbm>>)
      } else {
      }
      %dma_start3A_255 = arith.constant 4 : i32
      %dma_start3A_256 = arith.constant 4 : i32
      %dma_start3A_257 = arith.constant 0 : i32
      %dma_start3A_258 = arith.constant 0 : i32
      %dma_start3A_259 = tpu.memref_slice %arg6[%dma_start3A_255, %dma_start3A_257, %dma_start3A_258] : memref<8x128x64xf32, #tpu.memory_space<vmem>> -> memref<1x128x64xf32, #tpu.memory_space<vmem>>
      %dma_start3A_260 = tpu.memref_squeeze %dma_start3A_259 : memref<1x128x64xf32, #tpu.memory_space<vmem>> -> memref<128x64xf32, #tpu.memory_space<vmem>>
      %dma_start3A_261 = tpu.memref_slice %arg5[%multiple_of3A_249] : memref<25600xi32, #tpu.memory_space<vmem>> -> memref<128xi32, #tpu.memory_space<vmem>>
      %dma_start3A_262 = arith.constant 0 : i32
      %dma_start3A_263 = arith.constant 0 : i32
      %dma_start3A_264 = tpu.memref_slice %arg2[%dma_start3A_262, %dma_start3A_263] : memref<2000000x64xf32, #tpu.memory_space<hbm>> -> memref<2000000x64xf32, #tpu.memory_space<hbm>>
      %dma_start3A_265 = tpu.memref_slice %arg7[%dma_start3A_256] : memref<8x!tpu.dma_semaphore, #tpu.memory_space<semaphore_mem>> -> memref<1x!tpu.dma_semaphore, #tpu.memory_space<semaphore_mem>>
      %dma_start3A_266 = tpu.memref_squeeze %dma_start3A_265 : memref<1x!tpu.dma_semaphore, #tpu.memory_space<semaphore_mem>> -> memref<!tpu.dma_semaphore, #tpu.memory_space<semaphore_mem>>
      tpu.enqueue_indirect_dma source(%dma_start3A_264 : memref<2000000x64xf32, #tpu.memory_space<hbm>>) target(%dma_start3A_260 : memref<128x64xf32, #tpu.memory_space<vmem>>) offsets(%dma_start3A_261 : memref<128xi32, #tpu.memory_space<vmem>>) semaphore(%dma_start3A_266 : memref<!tpu.dma_semaphore, #tpu.memory_space<semaphore_mem>>)
      %add3A_267 = arith.constant 5 : i32
      %add3A_268 = arith.addi %mul3A_159, %add3A_267 : i32
      %mul3A_269 = arith.constant 128 : i32
      %mul3A_270 = arith.muli %add3A_268, %mul3A_269 : i32
      %multiple_of3A_271 = tpu.assume_multiple %mul3A_270, 128 : i32
      %gt3A_272 = arith.constant 0 : i32
      %gt3A_273 = arith.cmpi sgt, %add3A_157, %gt3A_272 : i32
      %convert_element_type3A_274 = arith.extui %gt3A_273 : i1 to i32
      %cond3A_275 = arith.constant 0 : i32
      %cond3A_276 = arith.cmpi ne, %convert_element_type3A_274, %cond3A_275 : i32
      scf.if %cond3A_276 {
        %add3A_645 = arith.addi %multiple_of3A, %multiple_of3A_271 : i32
        %sub3A = arith.constant 1024 : i32
        %sub3A_646 = arith.subi %add3A_645, %sub3A : i32
        %dma_wait3A_647 = arith.constant 5 : i32
        %dma_wait3A_648 = arith.constant 5 : i32
        %dma_wait3A_649 = arith.constant 0 : i32
        %dma_wait3A_650 = arith.constant 0 : i32
        %dma_wait3A_651 = tpu.memref_slice %arg6[%dma_wait3A_647, %dma_wait3A_649, %dma_wait3A_650] : memref<8x128x64xf32, #tpu.memory_space<vmem>> -> memref<1x128x64xf32, #tpu.memory_space<vmem>>
        %dma_wait3A_652 = tpu.memref_squeeze %dma_wait3A_651 : memref<1x128x64xf32, #tpu.memory_space<vmem>> -> memref<128x64xf32, #tpu.memory_space<vmem>>
        %dma_wait3A_653 = arith.constant 0 : i32
        %dma_wait3A_654 = tpu.memref_slice %arg4[%sub3A_646, %dma_wait3A_653] : memref<819200x128xf32, #tpu.memory_space<hbm>> -> memref<128x64xf32, #tpu.memory_space<hbm>>
        %dma_wait3A_655 = tpu.memref_slice %arg8[%dma_wait3A_648] : memref<8x!tpu.dma_semaphore, #tpu.memory_space<semaphore_mem>> -> memref<1x!tpu.dma_semaphore, #tpu.memory_space<semaphore_mem>>
        %dma_wait3A_656 = tpu.memref_squeeze %dma_wait3A_655 : memref<1x!tpu.dma_semaphore, #tpu.memory_space<semaphore_mem>> -> memref<!tpu.dma_semaphore, #tpu.memory_space<semaphore_mem>>
        %dma_wait3A_657 = arith.constant 0 : i32
        %dma_wait3A_658 = tpu.memref_slice %arg4[%sub3A_646, %dma_wait3A_657] : memref<819200x128xf32, #tpu.memory_space<hbm>> -> memref<128x64xf32, #tpu.memory_space<hbm>>
        %dma_wait3A_659 = arith.constant 0 : i32
        %dma_wait3A_660 = arith.constant 0 : i32
        %dma_wait3A_661 = tpu.memref_slice %arg6[%dma_wait3A_647, %dma_wait3A_659, %dma_wait3A_660] : memref<8x128x64xf32, #tpu.memory_space<vmem>> -> memref<1x128x64xf32, #tpu.memory_space<vmem>>
        %dma_wait3A_662 = tpu.memref_squeeze %dma_wait3A_661 : memref<1x128x64xf32, #tpu.memory_space<vmem>> -> memref<128x64xf32, #tpu.memory_space<vmem>>
        tpu.wait_dma2 semaphore(%dma_wait3A_656 : memref<!tpu.dma_semaphore, #tpu.memory_space<semaphore_mem>>) src(%dma_wait3A_662 : memref<128x64xf32, #tpu.memory_space<vmem>>) dst(%dma_wait3A_658 : memref<128x64xf32, #tpu.memory_space<hbm>>)
      } else {
      }
      %dma_start3A_277 = arith.constant 5 : i32
      %dma_start3A_278 = arith.constant 5 : i32
      %dma_start3A_279 = arith.constant 0 : i32
      %dma_start3A_280 = arith.constant 0 : i32
      %dma_start3A_281 = tpu.memref_slice %arg6[%dma_start3A_277, %dma_start3A_279, %dma_start3A_280] : memref<8x128x64xf32, #tpu.memory_space<vmem>> -> memref<1x128x64xf32, #tpu.memory_space<vmem>>
      %dma_start3A_282 = tpu.memref_squeeze %dma_start3A_281 : memref<1x128x64xf32, #tpu.memory_space<vmem>> -> memref<128x64xf32, #tpu.memory_space<vmem>>
      %dma_start3A_283 = tpu.memref_slice %arg5[%multiple_of3A_271] : memref<25600xi32, #tpu.memory_space<vmem>> -> memref<128xi32, #tpu.memory_space<vmem>>
      %dma_start3A_284 = arith.constant 0 : i32
      %dma_start3A_285 = arith.constant 0 : i32
      %dma_start3A_286 = tpu.memref_slice %arg2[%dma_start3A_284, %dma_start3A_285] : memref<2000000x64xf32, #tpu.memory_space<hbm>> -> memref<2000000x64xf32, #tpu.memory_space<hbm>>
      %dma_start3A_287 = tpu.memref_slice %arg7[%dma_start3A_278] : memref<8x!tpu.dma_semaphore, #tpu.memory_space<semaphore_mem>> -> memref<1x!tpu.dma_semaphore, #tpu.memory_space<semaphore_mem>>
      %dma_start3A_288 = tpu.memref_squeeze %dma_start3A_287 : memref<1x!tpu.dma_semaphore, #tpu.memory_space<semaphore_mem>> -> memref<!tpu.dma_semaphore, #tpu.memory_space<semaphore_mem>>
      tpu.enqueue_indirect_dma source(%dma_start3A_286 : memref<2000000x64xf32, #tpu.memory_space<hbm>>) target(%dma_start3A_282 : memref<128x64xf32, #tpu.memory_space<vmem>>) offsets(%dma_start3A_283 : memref<128xi32, #tpu.memory_space<vmem>>) semaphore(%dma_start3A_288 : memref<!tpu.dma_semaphore, #tpu.memory_space<semaphore_mem>>)
      %add3A_289 = arith.constant 6 : i32
      %add3A_290 = arith.addi %mul3A_159, %add3A_289 : i32
      %mul3A_291 = arith.constant 128 : i32
      %mul3A_292 = arith.muli %add3A_290, %mul3A_291 : i32
      %multiple_of3A_293 = tpu.assume_multiple %mul3A_292, 128 : i32
      %gt3A_294 = arith.constant 0 : i32
      %gt3A_295 = arith.cmpi sgt, %add3A_157, %gt3A_294 : i32
      %convert_element_type3A_296 = arith.extui %gt3A_295 : i1 to i32
      %cond3A_297 = arith.constant 0 : i32
      %cond3A_298 = arith.cmpi ne, %convert_element_type3A_296, %cond3A_297 : i32
      scf.if %cond3A_298 {
        %add3A_645 = arith.addi %multiple_of3A, %multiple_of3A_293 : i32
        %sub3A = arith.constant 1024 : i32
        %sub3A_646 = arith.subi %add3A_645, %sub3A : i32
        %dma_wait3A_647 = arith.constant 6 : i32
        %dma_wait3A_648 = arith.constant 6 : i32
        %dma_wait3A_649 = arith.constant 0 : i32
        %dma_wait3A_650 = arith.constant 0 : i32
        %dma_wait3A_651 = tpu.memref_slice %arg6[%dma_wait3A_647, %dma_wait3A_649, %dma_wait3A_650] : memref<8x128x64xf32, #tpu.memory_space<vmem>> -> memref<1x128x64xf32, #tpu.memory_space<vmem>>
        %dma_wait3A_652 = tpu.memref_squeeze %dma_wait3A_651 : memref<1x128x64xf32, #tpu.memory_space<vmem>> -> memref<128x64xf32, #tpu.memory_space<vmem>>
        %dma_wait3A_653 = arith.constant 0 : i32
        %dma_wait3A_654 = tpu.memref_slice %arg4[%sub3A_646, %dma_wait3A_653] : memref<819200x128xf32, #tpu.memory_space<hbm>> -> memref<128x64xf32, #tpu.memory_space<hbm>>
        %dma_wait3A_655 = tpu.memref_slice %arg8[%dma_wait3A_648] : memref<8x!tpu.dma_semaphore, #tpu.memory_space<semaphore_mem>> -> memref<1x!tpu.dma_semaphore, #tpu.memory_space<semaphore_mem>>
        %dma_wait3A_656 = tpu.memref_squeeze %dma_wait3A_655 : memref<1x!tpu.dma_semaphore, #tpu.memory_space<semaphore_mem>> -> memref<!tpu.dma_semaphore, #tpu.memory_space<semaphore_mem>>
        %dma_wait3A_657 = arith.constant 0 : i32
        %dma_wait3A_658 = tpu.memref_slice %arg4[%sub3A_646, %dma_wait3A_657] : memref<819200x128xf32, #tpu.memory_space<hbm>> -> memref<128x64xf32, #tpu.memory_space<hbm>>
        %dma_wait3A_659 = arith.constant 0 : i32
        %dma_wait3A_660 = arith.constant 0 : i32
        %dma_wait3A_661 = tpu.memref_slice %arg6[%dma_wait3A_647, %dma_wait3A_659, %dma_wait3A_660] : memref<8x128x64xf32, #tpu.memory_space<vmem>> -> memref<1x128x64xf32, #tpu.memory_space<vmem>>
        %dma_wait3A_662 = tpu.memref_squeeze %dma_wait3A_661 : memref<1x128x64xf32, #tpu.memory_space<vmem>> -> memref<128x64xf32, #tpu.memory_space<vmem>>
        tpu.wait_dma2 semaphore(%dma_wait3A_656 : memref<!tpu.dma_semaphore, #tpu.memory_space<semaphore_mem>>) src(%dma_wait3A_662 : memref<128x64xf32, #tpu.memory_space<vmem>>) dst(%dma_wait3A_658 : memref<128x64xf32, #tpu.memory_space<hbm>>)
      } else {
      }
      %dma_start3A_299 = arith.constant 6 : i32
      %dma_start3A_300 = arith.constant 6 : i32
      %dma_start3A_301 = arith.constant 0 : i32
      %dma_start3A_302 = arith.constant 0 : i32
      %dma_start3A_303 = tpu.memref_slice %arg6[%dma_start3A_299, %dma_start3A_301, %dma_start3A_302] : memref<8x128x64xf32, #tpu.memory_space<vmem>> -> memref<1x128x64xf32, #tpu.memory_space<vmem>>
      %dma_start3A_304 = tpu.memref_squeeze %dma_start3A_303 : memref<1x128x64xf32, #tpu.memory_space<vmem>> -> memref<128x64xf32, #tpu.memory_space<vmem>>
      %dma_start3A_305 = tpu.memref_slice %arg5[%multiple_of3A_293] : memref<25600xi32, #tpu.memory_space<vmem>> -> memref<128xi32, #tpu.memory_space<vmem>>
      %dma_start3A_306 = arith.constant 0 : i32
      %dma_start3A_307 = arith.constant 0 : i32
      %dma_start3A_308 = tpu.memref_slice %arg2[%dma_start3A_306, %dma_start3A_307] : memref<2000000x64xf32, #tpu.memory_space<hbm>> -> memref<2000000x64xf32, #tpu.memory_space<hbm>>
      %dma_start3A_309 = tpu.memref_slice %arg7[%dma_start3A_300] : memref<8x!tpu.dma_semaphore, #tpu.memory_space<semaphore_mem>> -> memref<1x!tpu.dma_semaphore, #tpu.memory_space<semaphore_mem>>
      %dma_start3A_310 = tpu.memref_squeeze %dma_start3A_309 : memref<1x!tpu.dma_semaphore, #tpu.memory_space<semaphore_mem>> -> memref<!tpu.dma_semaphore, #tpu.memory_space<semaphore_mem>>
      tpu.enqueue_indirect_dma source(%dma_start3A_308 : memref<2000000x64xf32, #tpu.memory_space<hbm>>) target(%dma_start3A_304 : memref<128x64xf32, #tpu.memory_space<vmem>>) offsets(%dma_start3A_305 : memref<128xi32, #tpu.memory_space<vmem>>) semaphore(%dma_start3A_310 : memref<!tpu.dma_semaphore, #tpu.memory_space<semaphore_mem>>)
      %add3A_311 = arith.constant 7 : i32
      %add3A_312 = arith.addi %mul3A_159, %add3A_311 : i32
      %mul3A_313 = arith.constant 128 : i32
      %mul3A_314 = arith.muli %add3A_312, %mul3A_313 : i32
      %multiple_of3A_315 = tpu.assume_multiple %mul3A_314, 128 : i32
      %gt3A_316 = arith.constant 0 : i32
      %gt3A_317 = arith.cmpi sgt, %add3A_157, %gt3A_316 : i32
      %convert_element_type3A_318 = arith.extui %gt3A_317 : i1 to i32
      %cond3A_319 = arith.constant 0 : i32
      %cond3A_320 = arith.cmpi ne, %convert_element_type3A_318, %cond3A_319 : i32
      scf.if %cond3A_320 {
        %add3A_645 = arith.addi %multiple_of3A, %multiple_of3A_315 : i32
        %sub3A = arith.constant 1024 : i32
        %sub3A_646 = arith.subi %add3A_645, %sub3A : i32
        %dma_wait3A_647 = arith.constant 7 : i32
        %dma_wait3A_648 = arith.constant 7 : i32
        %dma_wait3A_649 = arith.constant 0 : i32
        %dma_wait3A_650 = arith.constant 0 : i32
        %dma_wait3A_651 = tpu.memref_slice %arg6[%dma_wait3A_647, %dma_wait3A_649, %dma_wait3A_650] : memref<8x128x64xf32, #tpu.memory_space<vmem>> -> memref<1x128x64xf32, #tpu.memory_space<vmem>>
        %dma_wait3A_652 = tpu.memref_squeeze %dma_wait3A_651 : memref<1x128x64xf32, #tpu.memory_space<vmem>> -> memref<128x64xf32, #tpu.memory_space<vmem>>
        %dma_wait3A_653 = arith.constant 0 : i32
        %dma_wait3A_654 = tpu.memref_slice %arg4[%sub3A_646, %dma_wait3A_653] : memref<819200x128xf32, #tpu.memory_space<hbm>> -> memref<128x64xf32, #tpu.memory_space<hbm>>
        %dma_wait3A_655 = tpu.memref_slice %arg8[%dma_wait3A_648] : memref<8x!tpu.dma_semaphore, #tpu.memory_space<semaphore_mem>> -> memref<1x!tpu.dma_semaphore, #tpu.memory_space<semaphore_mem>>
        %dma_wait3A_656 = tpu.memref_squeeze %dma_wait3A_655 : memref<1x!tpu.dma_semaphore, #tpu.memory_space<semaphore_mem>> -> memref<!tpu.dma_semaphore, #tpu.memory_space<semaphore_mem>>
        %dma_wait3A_657 = arith.constant 0 : i32
        %dma_wait3A_658 = tpu.memref_slice %arg4[%sub3A_646, %dma_wait3A_657] : memref<819200x128xf32, #tpu.memory_space<hbm>> -> memref<128x64xf32, #tpu.memory_space<hbm>>
        %dma_wait3A_659 = arith.constant 0 : i32
        %dma_wait3A_660 = arith.constant 0 : i32
        %dma_wait3A_661 = tpu.memref_slice %arg6[%dma_wait3A_647, %dma_wait3A_659, %dma_wait3A_660] : memref<8x128x64xf32, #tpu.memory_space<vmem>> -> memref<1x128x64xf32, #tpu.memory_space<vmem>>
        %dma_wait3A_662 = tpu.memref_squeeze %dma_wait3A_661 : memref<1x128x64xf32, #tpu.memory_space<vmem>> -> memref<128x64xf32, #tpu.memory_space<vmem>>
        tpu.wait_dma2 semaphore(%dma_wait3A_656 : memref<!tpu.dma_semaphore, #tpu.memory_space<semaphore_mem>>) src(%dma_wait3A_662 : memref<128x64xf32, #tpu.memory_space<vmem>>) dst(%dma_wait3A_658 : memref<128x64xf32, #tpu.memory_space<hbm>>)
      } else {
      }
      %dma_start3A_321 = arith.constant 7 : i32
      %dma_start3A_322 = arith.constant 7 : i32
      %dma_start3A_323 = arith.constant 0 : i32
      %dma_start3A_324 = arith.constant 0 : i32
      %dma_start3A_325 = tpu.memref_slice %arg6[%dma_start3A_321, %dma_start3A_323, %dma_start3A_324] : memref<8x128x64xf32, #tpu.memory_space<vmem>> -> memref<1x128x64xf32, #tpu.memory_space<vmem>>
      %dma_start3A_326 = tpu.memref_squeeze %dma_start3A_325 : memref<1x128x64xf32, #tpu.memory_space<vmem>> -> memref<128x64xf32, #tpu.memory_space<vmem>>
      %dma_start3A_327 = tpu.memref_slice %arg5[%multiple_of3A_315] : memref<25600xi32, #tpu.memory_space<vmem>> -> memref<128xi32, #tpu.memory_space<vmem>>
      %dma_start3A_328 = arith.constant 0 : i32
      %dma_start3A_329 = arith.constant 0 : i32
      %dma_start3A_330 = tpu.memref_slice %arg2[%dma_start3A_328, %dma_start3A_329] : memref<2000000x64xf32, #tpu.memory_space<hbm>> -> memref<2000000x64xf32, #tpu.memory_space<hbm>>
      %dma_start3A_331 = tpu.memref_slice %arg7[%dma_start3A_322] : memref<8x!tpu.dma_semaphore, #tpu.memory_space<semaphore_mem>> -> memref<1x!tpu.dma_semaphore, #tpu.memory_space<semaphore_mem>>
      %dma_start3A_332 = tpu.memref_squeeze %dma_start3A_331 : memref<1x!tpu.dma_semaphore, #tpu.memory_space<semaphore_mem>> -> memref<!tpu.dma_semaphore, #tpu.memory_space<semaphore_mem>>
      tpu.enqueue_indirect_dma source(%dma_start3A_330 : memref<2000000x64xf32, #tpu.memory_space<hbm>>) target(%dma_start3A_326 : memref<128x64xf32, #tpu.memory_space<vmem>>) offsets(%dma_start3A_327 : memref<128xi32, #tpu.memory_space<vmem>>) semaphore(%dma_start3A_332 : memref<!tpu.dma_semaphore, #tpu.memory_space<semaphore_mem>>)
      %add3A_333 = arith.constant 0 : i32
      %add3A_334 = arith.addi %mul3A_159, %add3A_333 : i32
      %mul3A_335 = arith.constant 128 : i32
      %mul3A_336 = arith.muli %add3A_334, %mul3A_335 : i32
      %multiple_of3A_337 = tpu.assume_multiple %mul3A_336, 128 : i32
      %dma_wait3A_338 = arith.constant 0 : i32
      %dma_wait3A_339 = arith.constant 0 : i32
      %dma_wait3A_340 = arith.constant 0 : i32
      %dma_wait3A_341 = arith.constant 0 : i32
      %dma_wait3A_342 = tpu.memref_slice %arg6[%dma_wait3A_338, %dma_wait3A_340, %dma_wait3A_341] : memref<8x128x64xf32, #tpu.memory_space<vmem>> -> memref<1x128x64xf32, #tpu.memory_space<vmem>>
      %dma_wait3A_343 = tpu.memref_squeeze %dma_wait3A_342 : memref<1x128x64xf32, #tpu.memory_space<vmem>> -> memref<128x64xf32, #tpu.memory_space<vmem>>
      %dma_wait3A_344 = tpu.memref_slice %arg5[%multiple_of3A_164] : memref<25600xi32, #tpu.memory_space<vmem>> -> memref<128xi32, #tpu.memory_space<vmem>>
      %dma_wait3A_345 = arith.constant 0 : i32
      %dma_wait3A_346 = arith.constant 0 : i32
      %dma_wait3A_347 = tpu.memref_slice %arg2[%dma_wait3A_345, %dma_wait3A_346] : memref<2000000x64xf32, #tpu.memory_space<hbm>> -> memref<2000000x64xf32, #tpu.memory_space<hbm>>
      %dma_wait3A_348 = tpu.memref_slice %arg7[%dma_wait3A_339] : memref<8x!tpu.dma_semaphore, #tpu.memory_space<semaphore_mem>> -> memref<1x!tpu.dma_semaphore, #tpu.memory_space<semaphore_mem>>
      %dma_wait3A_349 = tpu.memref_squeeze %dma_wait3A_348 : memref<1x!tpu.dma_semaphore, #tpu.memory_space<semaphore_mem>> -> memref<!tpu.dma_semaphore, #tpu.memory_space<semaphore_mem>>
      tpu.wait_indirect_dma semaphore(%dma_wait3A_349 : memref<!tpu.dma_semaphore, #tpu.memory_space<semaphore_mem>>) src(%dma_wait3A_347 : memref<2000000x64xf32, #tpu.memory_space<hbm>>) dst(%dma_wait3A_343 : memref<128x64xf32, #tpu.memory_space<vmem>>)
      %scan3A_350 = arith.constant 0 : i32
      %scan3A_351 = arith.constant 128 : i32
      %scan3A_352 = arith.addi %scan3A_350, %scan3A_351 : i32
      %scan3A_353 = arith.constant 1 : i32
      scf.for %scan3A_645 = %scan3A_350 to %scan3A_352 step %scan3A_353  : i32 {
        %mul3A_646 = arith.constant 1 : i32
        %mul3A_647 = arith.muli %scan3A_645, %mul3A_646 : i32
        %add3A_648 = arith.constant 0 : i32
        %add3A_649 = arith.addi %add3A_648, %mul3A_647 : i32
        %get3A = arith.constant 0 : i32
        %get3A_650 = arith.index_cast %get3A : i32 to index
        %get3A_651 = arith.index_cast %add3A_649 : i32 to index
        %get3A_652 = arith.constant 0 : index
        %get3A_653 = tpu.vector_load %arg6[%get3A_650, %get3A_651, %get3A_652] {strides = array<i32>} : memref<8x128x64xf32, #tpu.memory_space<vmem>>, vector<1x1x16xf32>,
        %get3A_654 = vector.shape_cast %get3A_653 : vector<1x1x16xf32> to vector<16xf32>
        %mul3A_655 = arith.constant 8.000000e+00 : f32
        %mul3A_656 = vector.broadcast %mul3A_655 : f32 to vector<16xf32>
        %mul3A_657 = arith.mulf %get3A_654, %mul3A_656 : vector<16xf32>
        %swap3A = arith.constant 0 : i32
        %swap3A_658 = arith.index_cast %swap3A : i32 to index
        %swap3A_659 = arith.index_cast %add3A_649 : i32 to index
        %swap3A_660 = arith.constant 0 : index
        %swap3A_661 = tpu.vector_load %arg6[%swap3A_658, %swap3A_659, %swap3A_660] {strides = array<i32>} : memref<8x128x64xf32, #tpu.memory_space<vmem>>, vector<1x1x16xf32>,
        %swap3A_662 = vector.shape_cast %swap3A_661 : vector<1x1x16xf32> to vector<16xf32>
        %swap3A_663 = vector.shape_cast %mul3A_657 : vector<16xf32> to vector<1x1x16xf32>
        tpu.vector_store %arg6[%swap3A_658, %swap3A_659, %swap3A_660], %swap3A_663 {strides = array<i32>} : memref<8x128x64xf32, #tpu.memory_space<vmem>>, vector<1x1x16xf32>,
        %get3A_664 = arith.constant 0 : i32
        %get3A_665 = arith.index_cast %get3A_664 : i32 to index
        %get3A_666 = arith.index_cast %add3A_649 : i32 to index
        %get3A_667 = arith.constant 16 : index
        %get3A_668 = tpu.vector_load %arg6[%get3A_665, %get3A_666, %get3A_667] {strides = array<i32>} : memref<8x128x64xf32, #tpu.memory_space<vmem>>, vector<1x1x16xf32>,
        %get3A_669 = vector.shape_cast %get3A_668 : vector<1x1x16xf32> to vector<16xf32>
        %mul3A_670 = arith.constant 8.000000e+00 : f32
        %mul3A_671 = vector.broadcast %mul3A_670 : f32 to vector<16xf32>
        %mul3A_672 = arith.mulf %get3A_669, %mul3A_671 : vector<16xf32>
        %swap3A_673 = arith.constant 0 : i32
        %swap3A_674 = arith.index_cast %swap3A_673 : i32 to index
        %swap3A_675 = arith.index_cast %add3A_649 : i32 to index
        %swap3A_676 = arith.constant 16 : index
        %swap3A_677 = tpu.vector_load %arg6[%swap3A_674, %swap3A_675, %swap3A_676] {strides = array<i32>} : memref<8x128x64xf32, #tpu.memory_space<vmem>>, vector<1x1x16xf32>,
        %swap3A_678 = vector.shape_cast %swap3A_677 : vector<1x1x16xf32> to vector<16xf32>
        %swap3A_679 = vector.shape_cast %mul3A_672 : vector<16xf32> to vector<1x1x16xf32>
        tpu.vector_store %arg6[%swap3A_674, %swap3A_675, %swap3A_676], %swap3A_679 {strides = array<i32>} : memref<8x128x64xf32, #tpu.memory_space<vmem>>, vector<1x1x16xf32>,
        %get3A_680 = arith.constant 0 : i32
        %get3A_681 = arith.index_cast %get3A_680 : i32 to index
        %get3A_682 = arith.index_cast %add3A_649 : i32 to index
        %get3A_683 = arith.constant 32 : index
        %get3A_684 = tpu.vector_load %arg6[%get3A_681, %get3A_682, %get3A_683] {strides = array<i32>} : memref<8x128x64xf32, #tpu.memory_space<vmem>>, vector<1x1x16xf32>,
        %get3A_685 = vector.shape_cast %get3A_684 : vector<1x1x16xf32> to vector<16xf32>
        %mul3A_686 = arith.constant 8.000000e+00 : f32
        %mul3A_687 = vector.broadcast %mul3A_686 : f32 to vector<16xf32>
        %mul3A_688 = arith.mulf %get3A_685, %mul3A_687 : vector<16xf32>
        %swap3A_689 = arith.constant 0 : i32
        %swap3A_690 = arith.index_cast %swap3A_689 : i32 to index
        %swap3A_691 = arith.index_cast %add3A_649 : i32 to index
        %swap3A_692 = arith.constant 32 : index
        %swap3A_693 = tpu.vector_load %arg6[%swap3A_690, %swap3A_691, %swap3A_692] {strides = array<i32>} : memref<8x128x64xf32, #tpu.memory_space<vmem>>, vector<1x1x16xf32>,
        %swap3A_694 = vector.shape_cast %swap3A_693 : vector<1x1x16xf32> to vector<16xf32>
        %swap3A_695 = vector.shape_cast %mul3A_688 : vector<16xf32> to vector<1x1x16xf32>
        tpu.vector_store %arg6[%swap3A_690, %swap3A_691, %swap3A_692], %swap3A_695 {strides = array<i32>} : memref<8x128x64xf32, #tpu.memory_space<vmem>>, vector<1x1x16xf32>,
        %get3A_696 = arith.constant 0 : i32
        %get3A_697 = arith.index_cast %get3A_696 : i32 to index
        %get3A_698 = arith.index_cast %add3A_649 : i32 to index
        %get3A_699 = arith.constant 48 : index
        %get3A_700 = tpu.vector_load %arg6[%get3A_697, %get3A_698, %get3A_699] {strides = array<i32>} : memref<8x128x64xf32, #tpu.memory_space<vmem>>, vector<1x1x16xf32>,
        %get3A_701 = vector.shape_cast %get3A_700 : vector<1x1x16xf32> to vector<16xf32>
        %mul3A_702 = arith.constant 8.000000e+00 : f32
        %mul3A_703 = vector.broadcast %mul3A_702 : f32 to vector<16xf32>
        %mul3A_704 = arith.mulf %get3A_701, %mul3A_703 : vector<16xf32>
        %swap3A_705 = arith.constant 0 : i32
        %swap3A_706 = arith.index_cast %swap3A_705 : i32 to index
        %swap3A_707 = arith.index_cast %add3A_649 : i32 to index
        %swap3A_708 = arith.constant 48 : index
        %swap3A_709 = tpu.vector_load %arg6[%swap3A_706, %swap3A_707, %swap3A_708] {strides = array<i32>} : memref<8x128x64xf32, #tpu.memory_space<vmem>>, vector<1x1x16xf32>,
        %swap3A_710 = vector.shape_cast %swap3A_709 : vector<1x1x16xf32> to vector<16xf32>
        %swap3A_711 = vector.shape_cast %mul3A_704 : vector<16xf32> to vector<1x1x16xf32>
        tpu.vector_store %arg6[%swap3A_706, %swap3A_707, %swap3A_708], %swap3A_711 {strides = array<i32>} : memref<8x128x64xf32, #tpu.memory_space<vmem>>, vector<1x1x16xf32>,
      }
      %scan3A_354 = arith.constant 128 : i32
      %add3A_355 = arith.addi %multiple_of3A, %multiple_of3A_337 : i32
      %dma_start3A_356 = arith.constant 0 : i32
      %dma_start3A_357 = arith.constant 0 : i32
      %dma_start3A_358 = arith.constant 0 : i32
      %dma_start3A_359 = arith.constant 0 : i32
      %dma_start3A_360 = tpu.memref_slice %arg6[%dma_start3A_356, %dma_start3A_358, %dma_start3A_359] : memref<8x128x64xf32, #tpu.memory_space<vmem>> -> memref<1x128x64xf32, #tpu.memory_space<vmem>>
      %dma_start3A_361 = tpu.memref_squeeze %dma_start3A_360 : memref<1x128x64xf32, #tpu.memory_space<vmem>> -> memref<128x64xf32, #tpu.memory_space<vmem>>
      %dma_start3A_362 = arith.constant 0 : i32
      %dma_start3A_363 = tpu.memref_slice %arg4[%add3A_355, %dma_start3A_362] : memref<819200x128xf32, #tpu.memory_space<hbm>> -> memref<128x64xf32, #tpu.memory_space<hbm>>
      %dma_start3A_364 = tpu.memref_slice %arg8[%dma_start3A_357] : memref<8x!tpu.dma_semaphore, #tpu.memory_space<semaphore_mem>> -> memref<1x!tpu.dma_semaphore, #tpu.memory_space<semaphore_mem>>
      %dma_start3A_365 = tpu.memref_squeeze %dma_start3A_364 : memref<1x!tpu.dma_semaphore, #tpu.memory_space<semaphore_mem>> -> memref<!tpu.dma_semaphore, #tpu.memory_space<semaphore_mem>>
      %dma_start3A_366 = arith.constant 0 : i32
      %dma_start3A_367 = tpu.memref_slice %arg4[%add3A_355, %dma_start3A_366] : memref<819200x128xf32, #tpu.memory_space<hbm>> -> memref<128x64xf32, #tpu.memory_space<hbm>>
      %dma_start3A_368 = arith.constant 0 : i32
      %dma_start3A_369 = arith.constant 0 : i32
      %dma_start3A_370 = tpu.memref_slice %arg6[%dma_start3A_356, %dma_start3A_368, %dma_start3A_369] : memref<8x128x64xf32, #tpu.memory_space<vmem>> -> memref<1x128x64xf32, #tpu.memory_space<vmem>>
      %dma_start3A_371 = tpu.memref_squeeze %dma_start3A_370 : memref<1x128x64xf32, #tpu.memory_space<vmem>> -> memref<128x64xf32, #tpu.memory_space<vmem>>
      tpu.enqueue_dma source(%dma_start3A_371 : memref<128x64xf32, #tpu.memory_space<vmem>>) target(%dma_start3A_367 : memref<128x64xf32, #tpu.memory_space<hbm>>) target_semaphore(%dma_start3A_365 : memref<!tpu.dma_semaphore, #tpu.memory_space<semaphore_mem>>)
      %add3A_372 = arith.constant 1 : i32
      %add3A_373 = arith.addi %mul3A_159, %add3A_372 : i32
      %mul3A_374 = arith.constant 128 : i32
      %mul3A_375 = arith.muli %add3A_373, %mul3A_374 : i32
      %multiple_of3A_376 = tpu.assume_multiple %mul3A_375, 128 : i32
      %dma_wait3A_377 = arith.constant 1 : i32
      %dma_wait3A_378 = arith.constant 1 : i32
      %dma_wait3A_379 = arith.constant 0 : i32
      %dma_wait3A_380 = arith.constant 0 : i32
      %dma_wait3A_381 = tpu.memref_slice %arg6[%dma_wait3A_377, %dma_wait3A_379, %dma_wait3A_380] : memref<8x128x64xf32, #tpu.memory_space<vmem>> -> memref<1x128x64xf32, #tpu.memory_space<vmem>>
      %dma_wait3A_382 = tpu.memref_squeeze %dma_wait3A_381 : memref<1x128x64xf32, #tpu.memory_space<vmem>> -> memref<128x64xf32, #tpu.memory_space<vmem>>
      %dma_wait3A_383 = tpu.memref_slice %arg5[%multiple_of3A_183] : memref<25600xi32, #tpu.memory_space<vmem>> -> memref<128xi32, #tpu.memory_space<vmem>>
      %dma_wait3A_384 = arith.constant 0 : i32
      %dma_wait3A_385 = arith.constant 0 : i32
      %dma_wait3A_386 = tpu.memref_slice %arg2[%dma_wait3A_384, %dma_wait3A_385] : memref<2000000x64xf32, #tpu.memory_space<hbm>> -> memref<2000000x64xf32, #tpu.memory_space<hbm>>
      %dma_wait3A_387 = tpu.memref_slice %arg7[%dma_wait3A_378] : memref<8x!tpu.dma_semaphore, #tpu.memory_space<semaphore_mem>> -> memref<1x!tpu.dma_semaphore, #tpu.memory_space<semaphore_mem>>
      %dma_wait3A_388 = tpu.memref_squeeze %dma_wait3A_387 : memref<1x!tpu.dma_semaphore, #tpu.memory_space<semaphore_mem>> -> memref<!tpu.dma_semaphore, #tpu.memory_space<semaphore_mem>>
      tpu.wait_indirect_dma semaphore(%dma_wait3A_388 : memref<!tpu.dma_semaphore, #tpu.memory_space<semaphore_mem>>) src(%dma_wait3A_386 : memref<2000000x64xf32, #tpu.memory_space<hbm>>) dst(%dma_wait3A_382 : memref<128x64xf32, #tpu.memory_space<vmem>>)
      %scan3A_389 = arith.constant 0 : i32
      %scan3A_390 = arith.constant 128 : i32
      %scan3A_391 = arith.addi %scan3A_389, %scan3A_390 : i32
      %scan3A_392 = arith.constant 1 : i32
      scf.for %scan3A_645 = %scan3A_389 to %scan3A_391 step %scan3A_392  : i32 {
        %mul3A_646 = arith.constant 1 : i32
        %mul3A_647 = arith.muli %scan3A_645, %mul3A_646 : i32
        %add3A_648 = arith.constant 0 : i32
        %add3A_649 = arith.addi %add3A_648, %mul3A_647 : i32
        %get3A = arith.constant 1 : i32
        %get3A_650 = arith.index_cast %get3A : i32 to index
        %get3A_651 = arith.index_cast %add3A_649 : i32 to index
        %get3A_652 = arith.constant 0 : index
        %get3A_653 = tpu.vector_load %arg6[%get3A_650, %get3A_651, %get3A_652] {strides = array<i32>} : memref<8x128x64xf32, #tpu.memory_space<vmem>>, vector<1x1x16xf32>,
        %get3A_654 = vector.shape_cast %get3A_653 : vector<1x1x16xf32> to vector<16xf32>
        %mul3A_655 = arith.constant 8.000000e+00 : f32
        %mul3A_656 = vector.broadcast %mul3A_655 : f32 to vector<16xf32>
        %mul3A_657 = arith.mulf %get3A_654, %mul3A_656 : vector<16xf32>
        %swap3A = arith.constant 1 : i32
        %swap3A_658 = arith.index_cast %swap3A : i32 to index
        %swap3A_659 = arith.index_cast %add3A_649 : i32 to index
        %swap3A_660 = arith.constant 0 : index
        %swap3A_661 = tpu.vector_load %arg6[%swap3A_658, %swap3A_659, %swap3A_660] {strides = array<i32>} : memref<8x128x64xf32, #tpu.memory_space<vmem>>, vector<1x1x16xf32>,
        %swap3A_662 = vector.shape_cast %swap3A_661 : vector<1x1x16xf32> to vector<16xf32>
        %swap3A_663 = vector.shape_cast %mul3A_657 : vector<16xf32> to vector<1x1x16xf32>
        tpu.vector_store %arg6[%swap3A_658, %swap3A_659, %swap3A_660], %swap3A_663 {strides = array<i32>} : memref<8x128x64xf32, #tpu.memory_space<vmem>>, vector<1x1x16xf32>,
        %get3A_664 = arith.constant 1 : i32
        %get3A_665 = arith.index_cast %get3A_664 : i32 to index
        %get3A_666 = arith.index_cast %add3A_649 : i32 to index
        %get3A_667 = arith.constant 16 : index
        %get3A_668 = tpu.vector_load %arg6[%get3A_665, %get3A_666, %get3A_667] {strides = array<i32>} : memref<8x128x64xf32, #tpu.memory_space<vmem>>, vector<1x1x16xf32>,
        %get3A_669 = vector.shape_cast %get3A_668 : vector<1x1x16xf32> to vector<16xf32>
        %mul3A_670 = arith.constant 8.000000e+00 : f32
        %mul3A_671 = vector.broadcast %mul3A_670 : f32 to vector<16xf32>
        %mul3A_672 = arith.mulf %get3A_669, %mul3A_671 : vector<16xf32>
        %swap3A_673 = arith.constant 1 : i32
        %swap3A_674 = arith.index_cast %swap3A_673 : i32 to index
        %swap3A_675 = arith.index_cast %add3A_649 : i32 to index
        %swap3A_676 = arith.constant 16 : index
        %swap3A_677 = tpu.vector_load %arg6[%swap3A_674, %swap3A_675, %swap3A_676] {strides = array<i32>} : memref<8x128x64xf32, #tpu.memory_space<vmem>>, vector<1x1x16xf32>,
        %swap3A_678 = vector.shape_cast %swap3A_677 : vector<1x1x16xf32> to vector<16xf32>
        %swap3A_679 = vector.shape_cast %mul3A_672 : vector<16xf32> to vector<1x1x16xf32>
        tpu.vector_store %arg6[%swap3A_674, %swap3A_675, %swap3A_676], %swap3A_679 {strides = array<i32>} : memref<8x128x64xf32, #tpu.memory_space<vmem>>, vector<1x1x16xf32>,
        %get3A_680 = arith.constant 1 : i32
        %get3A_681 = arith.index_cast %get3A_680 : i32 to index
        %get3A_682 = arith.index_cast %add3A_649 : i32 to index
        %get3A_683 = arith.constant 32 : index
        %get3A_684 = tpu.vector_load %arg6[%get3A_681, %get3A_682, %get3A_683] {strides = array<i32>} : memref<8x128x64xf32, #tpu.memory_space<vmem>>, vector<1x1x16xf32>,
        %get3A_685 = vector.shape_cast %get3A_684 : vector<1x1x16xf32> to vector<16xf32>
        %mul3A_686 = arith.constant 8.000000e+00 : f32
        %mul3A_687 = vector.broadcast %mul3A_686 : f32 to vector<16xf32>
        %mul3A_688 = arith.mulf %get3A_685, %mul3A_687 : vector<16xf32>
        %swap3A_689 = arith.constant 1 : i32
        %swap3A_690 = arith.index_cast %swap3A_689 : i32 to index
        %swap3A_691 = arith.index_cast %add3A_649 : i32 to index
        %swap3A_692 = arith.constant 32 : index
        %swap3A_693 = tpu.vector_load %arg6[%swap3A_690, %swap3A_691, %swap3A_692] {strides = array<i32>} : memref<8x128x64xf32, #tpu.memory_space<vmem>>, vector<1x1x16xf32>,
        %swap3A_694 = vector.shape_cast %swap3A_693 : vector<1x1x16xf32> to vector<16xf32>
        %swap3A_695 = vector.shape_cast %mul3A_688 : vector<16xf32> to vector<1x1x16xf32>
        tpu.vector_store %arg6[%swap3A_690, %swap3A_691, %swap3A_692], %swap3A_695 {strides = array<i32>} : memref<8x128x64xf32, #tpu.memory_space<vmem>>, vector<1x1x16xf32>,
        %get3A_696 = arith.constant 1 : i32
        %get3A_697 = arith.index_cast %get3A_696 : i32 to index
        %get3A_698 = arith.index_cast %add3A_649 : i32 to index
        %get3A_699 = arith.constant 48 : index
        %get3A_700 = tpu.vector_load %arg6[%get3A_697, %get3A_698, %get3A_699] {strides = array<i32>} : memref<8x128x64xf32, #tpu.memory_space<vmem>>, vector<1x1x16xf32>,
        %get3A_701 = vector.shape_cast %get3A_700 : vector<1x1x16xf32> to vector<16xf32>
        %mul3A_702 = arith.constant 8.000000e+00 : f32
        %mul3A_703 = vector.broadcast %mul3A_702 : f32 to vector<16xf32>
        %mul3A_704 = arith.mulf %get3A_701, %mul3A_703 : vector<16xf32>
        %swap3A_705 = arith.constant 1 : i32
        %swap3A_706 = arith.index_cast %swap3A_705 : i32 to index
        %swap3A_707 = arith.index_cast %add3A_649 : i32 to index
        %swap3A_708 = arith.constant 48 : index
        %swap3A_709 = tpu.vector_load %arg6[%swap3A_706, %swap3A_707, %swap3A_708] {strides = array<i32>} : memref<8x128x64xf32, #tpu.memory_space<vmem>>, vector<1x1x16xf32>,
        %swap3A_710 = vector.shape_cast %swap3A_709 : vector<1x1x16xf32> to vector<16xf32>
        %swap3A_711 = vector.shape_cast %mul3A_704 : vector<16xf32> to vector<1x1x16xf32>
        tpu.vector_store %arg6[%swap3A_706, %swap3A_707, %swap3A_708], %swap3A_711 {strides = array<i32>} : memref<8x128x64xf32, #tpu.memory_space<vmem>>, vector<1x1x16xf32>,
      }
      %scan3A_393 = arith.constant 128 : i32
      %add3A_394 = arith.addi %multiple_of3A, %multiple_of3A_376 : i32
      %dma_start3A_395 = arith.constant 1 : i32
      %dma_start3A_396 = arith.constant 1 : i32
      %dma_start3A_397 = arith.constant 0 : i32
      %dma_start3A_398 = arith.constant 0 : i32
      %dma_start3A_399 = tpu.memref_slice %arg6[%dma_start3A_395, %dma_start3A_397, %dma_start3A_398] : memref<8x128x64xf32, #tpu.memory_space<vmem>> -> memref<1x128x64xf32, #tpu.memory_space<vmem>>
      %dma_start3A_400 = tpu.memref_squeeze %dma_start3A_399 : memref<1x128x64xf32, #tpu.memory_space<vmem>> -> memref<128x64xf32, #tpu.memory_space<vmem>>
      %dma_start3A_401 = arith.constant 0 : i32
      %dma_start3A_402 = tpu.memref_slice %arg4[%add3A_394, %dma_start3A_401] : memref<819200x128xf32, #tpu.memory_space<hbm>> -> memref<128x64xf32, #tpu.memory_space<hbm>>
      %dma_start3A_403 = tpu.memref_slice %arg8[%dma_start3A_396] : memref<8x!tpu.dma_semaphore, #tpu.memory_space<semaphore_mem>> -> memref<1x!tpu.dma_semaphore, #tpu.memory_space<semaphore_mem>>
      %dma_start3A_404 = tpu.memref_squeeze %dma_start3A_403 : memref<1x!tpu.dma_semaphore, #tpu.memory_space<semaphore_mem>> -> memref<!tpu.dma_semaphore, #tpu.memory_space<semaphore_mem>>
      %dma_start3A_405 = arith.constant 0 : i32
      %dma_start3A_406 = tpu.memref_slice %arg4[%add3A_394, %dma_start3A_405] : memref<819200x128xf32, #tpu.memory_space<hbm>> -> memref<128x64xf32, #tpu.memory_space<hbm>>
      %dma_start3A_407 = arith.constant 0 : i32
      %dma_start3A_408 = arith.constant 0 : i32
      %dma_start3A_409 = tpu.memref_slice %arg6[%dma_start3A_395, %dma_start3A_407, %dma_start3A_408] : memref<8x128x64xf32, #tpu.memory_space<vmem>> -> memref<1x128x64xf32, #tpu.memory_space<vmem>>
      %dma_start3A_410 = tpu.memref_squeeze %dma_start3A_409 : memref<1x128x64xf32, #tpu.memory_space<vmem>> -> memref<128x64xf32, #tpu.memory_space<vmem>>
      tpu.enqueue_dma source(%dma_start3A_410 : memref<128x64xf32, #tpu.memory_space<vmem>>) target(%dma_start3A_406 : memref<128x64xf32, #tpu.memory_space<hbm>>) target_semaphore(%dma_start3A_404 : memref<!tpu.dma_semaphore, #tpu.memory_space<semaphore_mem>>)
      %add3A_411 = arith.constant 2 : i32
      %add3A_412 = arith.addi %mul3A_159, %add3A_411 : i32
      %mul3A_413 = arith.constant 128 : i32
      %mul3A_414 = arith.muli %add3A_412, %mul3A_413 : i32
      %multiple_of3A_415 = tpu.assume_multiple %mul3A_414, 128 : i32
      %dma_wait3A_416 = arith.constant 2 : i32
      %dma_wait3A_417 = arith.constant 2 : i32
      %dma_wait3A_418 = arith.constant 0 : i32
      %dma_wait3A_419 = arith.constant 0 : i32
      %dma_wait3A_420 = tpu.memref_slice %arg6[%dma_wait3A_416, %dma_wait3A_418, %dma_wait3A_419] : memref<8x128x64xf32, #tpu.memory_space<vmem>> -> memref<1x128x64xf32, #tpu.memory_space<vmem>>
      %dma_wait3A_421 = tpu.memref_squeeze %dma_wait3A_420 : memref<1x128x64xf32, #tpu.memory_space<vmem>> -> memref<128x64xf32, #tpu.memory_space<vmem>>
      %dma_wait3A_422 = tpu.memref_slice %arg5[%multiple_of3A_205] : memref<25600xi32, #tpu.memory_space<vmem>> -> memref<128xi32, #tpu.memory_space<vmem>>
      %dma_wait3A_423 = arith.constant 0 : i32
      %dma_wait3A_424 = arith.constant 0 : i32
      %dma_wait3A_425 = tpu.memref_slice %arg2[%dma_wait3A_423, %dma_wait3A_424] : memref<2000000x64xf32, #tpu.memory_space<hbm>> -> memref<2000000x64xf32, #tpu.memory_space<hbm>>
      %dma_wait3A_426 = tpu.memref_slice %arg7[%dma_wait3A_417] : memref<8x!tpu.dma_semaphore, #tpu.memory_space<semaphore_mem>> -> memref<1x!tpu.dma_semaphore, #tpu.memory_space<semaphore_mem>>
      %dma_wait3A_427 = tpu.memref_squeeze %dma_wait3A_426 : memref<1x!tpu.dma_semaphore, #tpu.memory_space<semaphore_mem>> -> memref<!tpu.dma_semaphore, #tpu.memory_space<semaphore_mem>>
      tpu.wait_indirect_dma semaphore(%dma_wait3A_427 : memref<!tpu.dma_semaphore, #tpu.memory_space<semaphore_mem>>) src(%dma_wait3A_425 : memref<2000000x64xf32, #tpu.memory_space<hbm>>) dst(%dma_wait3A_421 : memref<128x64xf32, #tpu.memory_space<vmem>>)
      %scan3A_428 = arith.constant 0 : i32
      %scan3A_429 = arith.constant 128 : i32
      %scan3A_430 = arith.addi %scan3A_428, %scan3A_429 : i32
      %scan3A_431 = arith.constant 1 : i32
      scf.for %scan3A_645 = %scan3A_428 to %scan3A_430 step %scan3A_431  : i32 {
        %mul3A_646 = arith.constant 1 : i32
        %mul3A_647 = arith.muli %scan3A_645, %mul3A_646 : i32
        %add3A_648 = arith.constant 0 : i32
        %add3A_649 = arith.addi %add3A_648, %mul3A_647 : i32
        %get3A = arith.constant 2 : i32
        %get3A_650 = arith.index_cast %get3A : i32 to index
        %get3A_651 = arith.index_cast %add3A_649 : i32 to index
        %get3A_652 = arith.constant 0 : index
        %get3A_653 = tpu.vector_load %arg6[%get3A_650, %get3A_651, %get3A_652] {strides = array<i32>} : memref<8x128x64xf32, #tpu.memory_space<vmem>>, vector<1x1x16xf32>,
        %get3A_654 = vector.shape_cast %get3A_653 : vector<1x1x16xf32> to vector<16xf32>
        %mul3A_655 = arith.constant 8.000000e+00 : f32
        %mul3A_656 = vector.broadcast %mul3A_655 : f32 to vector<16xf32>
        %mul3A_657 = arith.mulf %get3A_654, %mul3A_656 : vector<16xf32>
        %swap3A = arith.constant 2 : i32
        %swap3A_658 = arith.index_cast %swap3A : i32 to index
        %swap3A_659 = arith.index_cast %add3A_649 : i32 to index
        %swap3A_660 = arith.constant 0 : index
        %swap3A_661 = tpu.vector_load %arg6[%swap3A_658, %swap3A_659, %swap3A_660] {strides = array<i32>} : memref<8x128x64xf32, #tpu.memory_space<vmem>>, vector<1x1x16xf32>,
        %swap3A_662 = vector.shape_cast %swap3A_661 : vector<1x1x16xf32> to vector<16xf32>
        %swap3A_663 = vector.shape_cast %mul3A_657 : vector<16xf32> to vector<1x1x16xf32>
        tpu.vector_store %arg6[%swap3A_658, %swap3A_659, %swap3A_660], %swap3A_663 {strides = array<i32>} : memref<8x128x64xf32, #tpu.memory_space<vmem>>, vector<1x1x16xf32>,
        %get3A_664 = arith.constant 2 : i32
        %get3A_665 = arith.index_cast %get3A_664 : i32 to index
        %get3A_666 = arith.index_cast %add3A_649 : i32 to index
        %get3A_667 = arith.constant 16 : index
        %get3A_668 = tpu.vector_load %arg6[%get3A_665, %get3A_666, %get3A_667] {strides = array<i32>} : memref<8x128x64xf32, #tpu.memory_space<vmem>>, vector<1x1x16xf32>,
        %get3A_669 = vector.shape_cast %get3A_668 : vector<1x1x16xf32> to vector<16xf32>
        %mul3A_670 = arith.constant 8.000000e+00 : f32
        %mul3A_671 = vector.broadcast %mul3A_670 : f32 to vector<16xf32>
        %mul3A_672 = arith.mulf %get3A_669, %mul3A_671 : vector<16xf32>
        %swap3A_673 = arith.constant 2 : i32
        %swap3A_674 = arith.index_cast %swap3A_673 : i32 to index
        %swap3A_675 = arith.index_cast %add3A_649 : i32 to index
        %swap3A_676 = arith.constant 16 : index
        %swap3A_677 = tpu.vector_load %arg6[%swap3A_674, %swap3A_675, %swap3A_676] {strides = array<i32>} : memref<8x128x64xf32, #tpu.memory_space<vmem>>, vector<1x1x16xf32>,
        %swap3A_678 = vector.shape_cast %swap3A_677 : vector<1x1x16xf32> to vector<16xf32>
        %swap3A_679 = vector.shape_cast %mul3A_672 : vector<16xf32> to vector<1x1x16xf32>
        tpu.vector_store %arg6[%swap3A_674, %swap3A_675, %swap3A_676], %swap3A_679 {strides = array<i32>} : memref<8x128x64xf32, #tpu.memory_space<vmem>>, vector<1x1x16xf32>,
        %get3A_680 = arith.constant 2 : i32
        %get3A_681 = arith.index_cast %get3A_680 : i32 to index
        %get3A_682 = arith.index_cast %add3A_649 : i32 to index
        %get3A_683 = arith.constant 32 : index
        %get3A_684 = tpu.vector_load %arg6[%get3A_681, %get3A_682, %get3A_683] {strides = array<i32>} : memref<8x128x64xf32, #tpu.memory_space<vmem>>, vector<1x1x16xf32>,
        %get3A_685 = vector.shape_cast %get3A_684 : vector<1x1x16xf32> to vector<16xf32>
        %mul3A_686 = arith.constant 8.000000e+00 : f32
        %mul3A_687 = vector.broadcast %mul3A_686 : f32 to vector<16xf32>
        %mul3A_688 = arith.mulf %get3A_685, %mul3A_687 : vector<16xf32>
        %swap3A_689 = arith.constant 2 : i32
        %swap3A_690 = arith.index_cast %swap3A_689 : i32 to index
        %swap3A_691 = arith.index_cast %add3A_649 : i32 to index
        %swap3A_692 = arith.constant 32 : index
        %swap3A_693 = tpu.vector_load %arg6[%swap3A_690, %swap3A_691, %swap3A_692] {strides = array<i32>} : memref<8x128x64xf32, #tpu.memory_space<vmem>>, vector<1x1x16xf32>,
        %swap3A_694 = vector.shape_cast %swap3A_693 : vector<1x1x16xf32> to vector<16xf32>
        %swap3A_695 = vector.shape_cast %mul3A_688 : vector<16xf32> to vector<1x1x16xf32>
        tpu.vector_store %arg6[%swap3A_690, %swap3A_691, %swap3A_692], %swap3A_695 {strides = array<i32>} : memref<8x128x64xf32, #tpu.memory_space<vmem>>, vector<1x1x16xf32>,
        %get3A_696 = arith.constant 2 : i32
        %get3A_697 = arith.index_cast %get3A_696 : i32 to index
        %get3A_698 = arith.index_cast %add3A_649 : i32 to index
        %get3A_699 = arith.constant 48 : index
        %get3A_700 = tpu.vector_load %arg6[%get3A_697, %get3A_698, %get3A_699] {strides = array<i32>} : memref<8x128x64xf32, #tpu.memory_space<vmem>>, vector<1x1x16xf32>,
        %get3A_701 = vector.shape_cast %get3A_700 : vector<1x1x16xf32> to vector<16xf32>
        %mul3A_702 = arith.constant 8.000000e+00 : f32
        %mul3A_703 = vector.broadcast %mul3A_702 : f32 to vector<16xf32>
        %mul3A_704 = arith.mulf %get3A_701, %mul3A_703 : vector<16xf32>
        %swap3A_705 = arith.constant 2 : i32
        %swap3A_706 = arith.index_cast %swap3A_705 : i32 to index
        %swap3A_707 = arith.index_cast %add3A_649 : i32 to index
        %swap3A_708 = arith.constant 48 : index
        %swap3A_709 = tpu.vector_load %arg6[%swap3A_706, %swap3A_707, %swap3A_708] {strides = array<i32>} : memref<8x128x64xf32, #tpu.memory_space<vmem>>, vector<1x1x16xf32>,
        %swap3A_710 = vector.shape_cast %swap3A_709 : vector<1x1x16xf32> to vector<16xf32>
        %swap3A_711 = vector.shape_cast %mul3A_704 : vector<16xf32> to vector<1x1x16xf32>
        tpu.vector_store %arg6[%swap3A_706, %swap3A_707, %swap3A_708], %swap3A_711 {strides = array<i32>} : memref<8x128x64xf32, #tpu.memory_space<vmem>>, vector<1x1x16xf32>,
      }
      %scan3A_432 = arith.constant 128 : i32
      %add3A_433 = arith.addi %multiple_of3A, %multiple_of3A_415 : i32
      %dma_start3A_434 = arith.constant 2 : i32
      %dma_start3A_435 = arith.constant 2 : i32
      %dma_start3A_436 = arith.constant 0 : i32
      %dma_start3A_437 = arith.constant 0 : i32
      %dma_start3A_438 = tpu.memref_slice %arg6[%dma_start3A_434, %dma_start3A_436, %dma_start3A_437] : memref<8x128x64xf32, #tpu.memory_space<vmem>> -> memref<1x128x64xf32, #tpu.memory_space<vmem>>
      %dma_start3A_439 = tpu.memref_squeeze %dma_start3A_438 : memref<1x128x64xf32, #tpu.memory_space<vmem>> -> memref<128x64xf32, #tpu.memory_space<vmem>>
      %dma_start3A_440 = arith.constant 0 : i32
      %dma_start3A_441 = tpu.memref_slice %arg4[%add3A_433, %dma_start3A_440] : memref<819200x128xf32, #tpu.memory_space<hbm>> -> memref<128x64xf32, #tpu.memory_space<hbm>>
      %dma_start3A_442 = tpu.memref_slice %arg8[%dma_start3A_435] : memref<8x!tpu.dma_semaphore, #tpu.memory_space<semaphore_mem>> -> memref<1x!tpu.dma_semaphore, #tpu.memory_space<semaphore_mem>>
      %dma_start3A_443 = tpu.memref_squeeze %dma_start3A_442 : memref<1x!tpu.dma_semaphore, #tpu.memory_space<semaphore_mem>> -> memref<!tpu.dma_semaphore, #tpu.memory_space<semaphore_mem>>
      %dma_start3A_444 = arith.constant 0 : i32
      %dma_start3A_445 = tpu.memref_slice %arg4[%add3A_433, %dma_start3A_444] : memref<819200x128xf32, #tpu.memory_space<hbm>> -> memref<128x64xf32, #tpu.memory_space<hbm>>
      %dma_start3A_446 = arith.constant 0 : i32
      %dma_start3A_447 = arith.constant 0 : i32
      %dma_start3A_448 = tpu.memref_slice %arg6[%dma_start3A_434, %dma_start3A_446, %dma_start3A_447] : memref<8x128x64xf32, #tpu.memory_space<vmem>> -> memref<1x128x64xf32, #tpu.memory_space<vmem>>
      %dma_start3A_449 = tpu.memref_squeeze %dma_start3A_448 : memref<1x128x64xf32, #tpu.memory_space<vmem>> -> memref<128x64xf32, #tpu.memory_space<vmem>>
      tpu.enqueue_dma source(%dma_start3A_449 : memref<128x64xf32, #tpu.memory_space<vmem>>) target(%dma_start3A_445 : memref<128x64xf32, #tpu.memory_space<hbm>>) target_semaphore(%dma_start3A_443 : memref<!tpu.dma_semaphore, #tpu.memory_space<semaphore_mem>>)
      %add3A_450 = arith.constant 3 : i32
      %add3A_451 = arith.addi %mul3A_159, %add3A_450 : i32
      %mul3A_452 = arith.constant 128 : i32
      %mul3A_453 = arith.muli %add3A_451, %mul3A_452 : i32
      %multiple_of3A_454 = tpu.assume_multiple %mul3A_453, 128 : i32
      %dma_wait3A_455 = arith.constant 3 : i32
      %dma_wait3A_456 = arith.constant 3 : i32
      %dma_wait3A_457 = arith.constant 0 : i32
      %dma_wait3A_458 = arith.constant 0 : i32
      %dma_wait3A_459 = tpu.memref_slice %arg6[%dma_wait3A_455, %dma_wait3A_457, %dma_wait3A_458] : memref<8x128x64xf32, #tpu.memory_space<vmem>> -> memref<1x128x64xf32, #tpu.memory_space<vmem>>
      %dma_wait3A_460 = tpu.memref_squeeze %dma_wait3A_459 : memref<1x128x64xf32, #tpu.memory_space<vmem>> -> memref<128x64xf32, #tpu.memory_space<vmem>>
      %dma_wait3A_461 = tpu.memref_slice %arg5[%multiple_of3A_227] : memref<25600xi32, #tpu.memory_space<vmem>> -> memref<128xi32, #tpu.memory_space<vmem>>
      %dma_wait3A_462 = arith.constant 0 : i32
      %dma_wait3A_463 = arith.constant 0 : i32
      %dma_wait3A_464 = tpu.memref_slice %arg2[%dma_wait3A_462, %dma_wait3A_463] : memref<2000000x64xf32, #tpu.memory_space<hbm>> -> memref<2000000x64xf32, #tpu.memory_space<hbm>>
      %dma_wait3A_465 = tpu.memref_slice %arg7[%dma_wait3A_456] : memref<8x!tpu.dma_semaphore, #tpu.memory_space<semaphore_mem>> -> memref<1x!tpu.dma_semaphore, #tpu.memory_space<semaphore_mem>>
      %dma_wait3A_466 = tpu.memref_squeeze %dma_wait3A_465 : memref<1x!tpu.dma_semaphore, #tpu.memory_space<semaphore_mem>> -> memref<!tpu.dma_semaphore, #tpu.memory_space<semaphore_mem>>
      tpu.wait_indirect_dma semaphore(%dma_wait3A_466 : memref<!tpu.dma_semaphore, #tpu.memory_space<semaphore_mem>>) src(%dma_wait3A_464 : memref<2000000x64xf32, #tpu.memory_space<hbm>>) dst(%dma_wait3A_460 : memref<128x64xf32, #tpu.memory_space<vmem>>)
      %scan3A_467 = arith.constant 0 : i32
      %scan3A_468 = arith.constant 128 : i32
      %scan3A_469 = arith.addi %scan3A_467, %scan3A_468 : i32
      %scan3A_470 = arith.constant 1 : i32
      scf.for %scan3A_645 = %scan3A_467 to %scan3A_469 step %scan3A_470  : i32 {
        %mul3A_646 = arith.constant 1 : i32
        %mul3A_647 = arith.muli %scan3A_645, %mul3A_646 : i32
        %add3A_648 = arith.constant 0 : i32
        %add3A_649 = arith.addi %add3A_648, %mul3A_647 : i32
        %get3A = arith.constant 3 : i32
        %get3A_650 = arith.index_cast %get3A : i32 to index
        %get3A_651 = arith.index_cast %add3A_649 : i32 to index
        %get3A_652 = arith.constant 0 : index
        %get3A_653 = tpu.vector_load %arg6[%get3A_650, %get3A_651, %get3A_652] {strides = array<i32>} : memref<8x128x64xf32, #tpu.memory_space<vmem>>, vector<1x1x16xf32>,
        %get3A_654 = vector.shape_cast %get3A_653 : vector<1x1x16xf32> to vector<16xf32>
        %mul3A_655 = arith.constant 8.000000e+00 : f32
        %mul3A_656 = vector.broadcast %mul3A_655 : f32 to vector<16xf32>
        %mul3A_657 = arith.mulf %get3A_654, %mul3A_656 : vector<16xf32>
        %swap3A = arith.constant 3 : i32
        %swap3A_658 = arith.index_cast %swap3A : i32 to index
        %swap3A_659 = arith.index_cast %add3A_649 : i32 to index
        %swap3A_660 = arith.constant 0 : index
        %swap3A_661 = tpu.vector_load %arg6[%swap3A_658, %swap3A_659, %swap3A_660] {strides = array<i32>} : memref<8x128x64xf32, #tpu.memory_space<vmem>>, vector<1x1x16xf32>,
        %swap3A_662 = vector.shape_cast %swap3A_661 : vector<1x1x16xf32> to vector<16xf32>
        %swap3A_663 = vector.shape_cast %mul3A_657 : vector<16xf32> to vector<1x1x16xf32>
        tpu.vector_store %arg6[%swap3A_658, %swap3A_659, %swap3A_660], %swap3A_663 {strides = array<i32>} : memref<8x128x64xf32, #tpu.memory_space<vmem>>, vector<1x1x16xf32>,
        %get3A_664 = arith.constant 3 : i32
        %get3A_665 = arith.index_cast %get3A_664 : i32 to index
        %get3A_666 = arith.index_cast %add3A_649 : i32 to index
        %get3A_667 = arith.constant 16 : index
        %get3A_668 = tpu.vector_load %arg6[%get3A_665, %get3A_666, %get3A_667] {strides = array<i32>} : memref<8x128x64xf32, #tpu.memory_space<vmem>>, vector<1x1x16xf32>,
        %get3A_669 = vector.shape_cast %get3A_668 : vector<1x1x16xf32> to vector<16xf32>
        %mul3A_670 = arith.constant 8.000000e+00 : f32
        %mul3A_671 = vector.broadcast %mul3A_670 : f32 to vector<16xf32>
        %mul3A_672 = arith.mulf %get3A_669, %mul3A_671 : vector<16xf32>
        %swap3A_673 = arith.constant 3 : i32
        %swap3A_674 = arith.index_cast %swap3A_673 : i32 to index
        %swap3A_675 = arith.index_cast %add3A_649 : i32 to index
        %swap3A_676 = arith.constant 16 : index
        %swap3A_677 = tpu.vector_load %arg6[%swap3A_674, %swap3A_675, %swap3A_676] {strides = array<i32>} : memref<8x128x64xf32, #tpu.memory_space<vmem>>, vector<1x1x16xf32>,
        %swap3A_678 = vector.shape_cast %swap3A_677 : vector<1x1x16xf32> to vector<16xf32>
        %swap3A_679 = vector.shape_cast %mul3A_672 : vector<16xf32> to vector<1x1x16xf32>
        tpu.vector_store %arg6[%swap3A_674, %swap3A_675, %swap3A_676], %swap3A_679 {strides = array<i32>} : memref<8x128x64xf32, #tpu.memory_space<vmem>>, vector<1x1x16xf32>,
        %get3A_680 = arith.constant 3 : i32
        %get3A_681 = arith.index_cast %get3A_680 : i32 to index
        %get3A_682 = arith.index_cast %add3A_649 : i32 to index
        %get3A_683 = arith.constant 32 : index
        %get3A_684 = tpu.vector_load %arg6[%get3A_681, %get3A_682, %get3A_683] {strides = array<i32>} : memref<8x128x64xf32, #tpu.memory_space<vmem>>, vector<1x1x16xf32>,
        %get3A_685 = vector.shape_cast %get3A_684 : vector<1x1x16xf32> to vector<16xf32>
        %mul3A_686 = arith.constant 8.000000e+00 : f32
        %mul3A_687 = vector.broadcast %mul3A_686 : f32 to vector<16xf32>
        %mul3A_688 = arith.mulf %get3A_685, %mul3A_687 : vector<16xf32>
        %swap3A_689 = arith.constant 3 : i32
        %swap3A_690 = arith.index_cast %swap3A_689 : i32 to index
        %swap3A_691 = arith.index_cast %add3A_649 : i32 to index
        %swap3A_692 = arith.constant 32 : index
        %swap3A_693 = tpu.vector_load %arg6[%swap3A_690, %swap3A_691, %swap3A_692] {strides = array<i32>} : memref<8x128x64xf32, #tpu.memory_space<vmem>>, vector<1x1x16xf32>,
        %swap3A_694 = vector.shape_cast %swap3A_693 : vector<1x1x16xf32> to vector<16xf32>
        %swap3A_695 = vector.shape_cast %mul3A_688 : vector<16xf32> to vector<1x1x16xf32>
        tpu.vector_store %arg6[%swap3A_690, %swap3A_691, %swap3A_692], %swap3A_695 {strides = array<i32>} : memref<8x128x64xf32, #tpu.memory_space<vmem>>, vector<1x1x16xf32>,
        %get3A_696 = arith.constant 3 : i32
        %get3A_697 = arith.index_cast %get3A_696 : i32 to index
        %get3A_698 = arith.index_cast %add3A_649 : i32 to index
        %get3A_699 = arith.constant 48 : index
        %get3A_700 = tpu.vector_load %arg6[%get3A_697, %get3A_698, %get3A_699] {strides = array<i32>} : memref<8x128x64xf32, #tpu.memory_space<vmem>>, vector<1x1x16xf32>,
        %get3A_701 = vector.shape_cast %get3A_700 : vector<1x1x16xf32> to vector<16xf32>
        %mul3A_702 = arith.constant 8.000000e+00 : f32
        %mul3A_703 = vector.broadcast %mul3A_702 : f32 to vector<16xf32>
        %mul3A_704 = arith.mulf %get3A_701, %mul3A_703 : vector<16xf32>
        %swap3A_705 = arith.constant 3 : i32
        %swap3A_706 = arith.index_cast %swap3A_705 : i32 to index
        %swap3A_707 = arith.index_cast %add3A_649 : i32 to index
        %swap3A_708 = arith.constant 48 : index
        %swap3A_709 = tpu.vector_load %arg6[%swap3A_706, %swap3A_707, %swap3A_708] {strides = array<i32>} : memref<8x128x64xf32, #tpu.memory_space<vmem>>, vector<1x1x16xf32>,
        %swap3A_710 = vector.shape_cast %swap3A_709 : vector<1x1x16xf32> to vector<16xf32>
        %swap3A_711 = vector.shape_cast %mul3A_704 : vector<16xf32> to vector<1x1x16xf32>
        tpu.vector_store %arg6[%swap3A_706, %swap3A_707, %swap3A_708], %swap3A_711 {strides = array<i32>} : memref<8x128x64xf32, #tpu.memory_space<vmem>>, vector<1x1x16xf32>,
      }
      %scan3A_471 = arith.constant 128 : i32
      %add3A_472 = arith.addi %multiple_of3A, %multiple_of3A_454 : i32
      %dma_start3A_473 = arith.constant 3 : i32
      %dma_start3A_474 = arith.constant 3 : i32
      %dma_start3A_475 = arith.constant 0 : i32
      %dma_start3A_476 = arith.constant 0 : i32
      %dma_start3A_477 = tpu.memref_slice %arg6[%dma_start3A_473, %dma_start3A_475, %dma_start3A_476] : memref<8x128x64xf32, #tpu.memory_space<vmem>> -> memref<1x128x64xf32, #tpu.memory_space<vmem>>
      %dma_start3A_478 = tpu.memref_squeeze %dma_start3A_477 : memref<1x128x64xf32, #tpu.memory_space<vmem>> -> memref<128x64xf32, #tpu.memory_space<vmem>>
      %dma_start3A_479 = arith.constant 0 : i32
      %dma_start3A_480 = tpu.memref_slice %arg4[%add3A_472, %dma_start3A_479] : memref<819200x128xf32, #tpu.memory_space<hbm>> -> memref<128x64xf32, #tpu.memory_space<hbm>>
      %dma_start3A_481 = tpu.memref_slice %arg8[%dma_start3A_474] : memref<8x!tpu.dma_semaphore, #tpu.memory_space<semaphore_mem>> -> memref<1x!tpu.dma_semaphore, #tpu.memory_space<semaphore_mem>>
      %dma_start3A_482 = tpu.memref_squeeze %dma_start3A_481 : memref<1x!tpu.dma_semaphore, #tpu.memory_space<semaphore_mem>> -> memref<!tpu.dma_semaphore, #tpu.memory_space<semaphore_mem>>
      %dma_start3A_483 = arith.constant 0 : i32
      %dma_start3A_484 = tpu.memref_slice %arg4[%add3A_472, %dma_start3A_483] : memref<819200x128xf32, #tpu.memory_space<hbm>> -> memref<128x64xf32, #tpu.memory_space<hbm>>
      %dma_start3A_485 = arith.constant 0 : i32
      %dma_start3A_486 = arith.constant 0 : i32
      %dma_start3A_487 = tpu.memref_slice %arg6[%dma_start3A_473, %dma_start3A_485, %dma_start3A_486] : memref<8x128x64xf32, #tpu.memory_space<vmem>> -> memref<1x128x64xf32, #tpu.memory_space<vmem>>
      %dma_start3A_488 = tpu.memref_squeeze %dma_start3A_487 : memref<1x128x64xf32, #tpu.memory_space<vmem>> -> memref<128x64xf32, #tpu.memory_space<vmem>>
      tpu.enqueue_dma source(%dma_start3A_488 : memref<128x64xf32, #tpu.memory_space<vmem>>) target(%dma_start3A_484 : memref<128x64xf32, #tpu.memory_space<hbm>>) target_semaphore(%dma_start3A_482 : memref<!tpu.dma_semaphore, #tpu.memory_space<semaphore_mem>>)
      %add3A_489 = arith.constant 4 : i32
      %add3A_490 = arith.addi %mul3A_159, %add3A_489 : i32
      %mul3A_491 = arith.constant 128 : i32
      %mul3A_492 = arith.muli %add3A_490, %mul3A_491 : i32
      %multiple_of3A_493 = tpu.assume_multiple %mul3A_492, 128 : i32
      %dma_wait3A_494 = arith.constant 4 : i32
      %dma_wait3A_495 = arith.constant 4 : i32
      %dma_wait3A_496 = arith.constant 0 : i32
      %dma_wait3A_497 = arith.constant 0 : i32
      %dma_wait3A_498 = tpu.memref_slice %arg6[%dma_wait3A_494, %dma_wait3A_496, %dma_wait3A_497] : memref<8x128x64xf32, #tpu.memory_space<vmem>> -> memref<1x128x64xf32, #tpu.memory_space<vmem>>
      %dma_wait3A_499 = tpu.memref_squeeze %dma_wait3A_498 : memref<1x128x64xf32, #tpu.memory_space<vmem>> -> memref<128x64xf32, #tpu.memory_space<vmem>>
      %dma_wait3A_500 = tpu.memref_slice %arg5[%multiple_of3A_249] : memref<25600xi32, #tpu.memory_space<vmem>> -> memref<128xi32, #tpu.memory_space<vmem>>
      %dma_wait3A_501 = arith.constant 0 : i32
      %dma_wait3A_502 = arith.constant 0 : i32
      %dma_wait3A_503 = tpu.memref_slice %arg2[%dma_wait3A_501, %dma_wait3A_502] : memref<2000000x64xf32, #tpu.memory_space<hbm>> -> memref<2000000x64xf32, #tpu.memory_space<hbm>>
      %dma_wait3A_504 = tpu.memref_slice %arg7[%dma_wait3A_495] : memref<8x!tpu.dma_semaphore, #tpu.memory_space<semaphore_mem>> -> memref<1x!tpu.dma_semaphore, #tpu.memory_space<semaphore_mem>>
      %dma_wait3A_505 = tpu.memref_squeeze %dma_wait3A_504 : memref<1x!tpu.dma_semaphore, #tpu.memory_space<semaphore_mem>> -> memref<!tpu.dma_semaphore, #tpu.memory_space<semaphore_mem>>
      tpu.wait_indirect_dma semaphore(%dma_wait3A_505 : memref<!tpu.dma_semaphore, #tpu.memory_space<semaphore_mem>>) src(%dma_wait3A_503 : memref<2000000x64xf32, #tpu.memory_space<hbm>>) dst(%dma_wait3A_499 : memref<128x64xf32, #tpu.memory_space<vmem>>)
      %scan3A_506 = arith.constant 0 : i32
      %scan3A_507 = arith.constant 128 : i32
      %scan3A_508 = arith.addi %scan3A_506, %scan3A_507 : i32
      %scan3A_509 = arith.constant 1 : i32
      scf.for %scan3A_645 = %scan3A_506 to %scan3A_508 step %scan3A_509  : i32 {
        %mul3A_646 = arith.constant 1 : i32
        %mul3A_647 = arith.muli %scan3A_645, %mul3A_646 : i32
        %add3A_648 = arith.constant 0 : i32
        %add3A_649 = arith.addi %add3A_648, %mul3A_647 : i32
        %get3A = arith.constant 4 : i32
        %get3A_650 = arith.index_cast %get3A : i32 to index
        %get3A_651 = arith.index_cast %add3A_649 : i32 to index
        %get3A_652 = arith.constant 0 : index
        %get3A_653 = tpu.vector_load %arg6[%get3A_650, %get3A_651, %get3A_652] {strides = array<i32>} : memref<8x128x64xf32, #tpu.memory_space<vmem>>, vector<1x1x16xf32>,
        %get3A_654 = vector.shape_cast %get3A_653 : vector<1x1x16xf32> to vector<16xf32>
        %mul3A_655 = arith.constant 8.000000e+00 : f32
        %mul3A_656 = vector.broadcast %mul3A_655 : f32 to vector<16xf32>
        %mul3A_657 = arith.mulf %get3A_654, %mul3A_656 : vector<16xf32>
        %swap3A = arith.constant 4 : i32
        %swap3A_658 = arith.index_cast %swap3A : i32 to index
        %swap3A_659 = arith.index_cast %add3A_649 : i32 to index
        %swap3A_660 = arith.constant 0 : index
        %swap3A_661 = tpu.vector_load %arg6[%swap3A_658, %swap3A_659, %swap3A_660] {strides = array<i32>} : memref<8x128x64xf32, #tpu.memory_space<vmem>>, vector<1x1x16xf32>,
        %swap3A_662 = vector.shape_cast %swap3A_661 : vector<1x1x16xf32> to vector<16xf32>
        %swap3A_663 = vector.shape_cast %mul3A_657 : vector<16xf32> to vector<1x1x16xf32>
        tpu.vector_store %arg6[%swap3A_658, %swap3A_659, %swap3A_660], %swap3A_663 {strides = array<i32>} : memref<8x128x64xf32, #tpu.memory_space<vmem>>, vector<1x1x16xf32>,
        %get3A_664 = arith.constant 4 : i32
        %get3A_665 = arith.index_cast %get3A_664 : i32 to index
        %get3A_666 = arith.index_cast %add3A_649 : i32 to index
        %get3A_667 = arith.constant 16 : index
        %get3A_668 = tpu.vector_load %arg6[%get3A_665, %get3A_666, %get3A_667] {strides = array<i32>} : memref<8x128x64xf32, #tpu.memory_space<vmem>>, vector<1x1x16xf32>,
        %get3A_669 = vector.shape_cast %get3A_668 : vector<1x1x16xf32> to vector<16xf32>
        %mul3A_670 = arith.constant 8.000000e+00 : f32
        %mul3A_671 = vector.broadcast %mul3A_670 : f32 to vector<16xf32>
        %mul3A_672 = arith.mulf %get3A_669, %mul3A_671 : vector<16xf32>
        %swap3A_673 = arith.constant 4 : i32
        %swap3A_674 = arith.index_cast %swap3A_673 : i32 to index
        %swap3A_675 = arith.index_cast %add3A_649 : i32 to index
        %swap3A_676 = arith.constant 16 : index
        %swap3A_677 = tpu.vector_load %arg6[%swap3A_674, %swap3A_675, %swap3A_676] {strides = array<i32>} : memref<8x128x64xf32, #tpu.memory_space<vmem>>, vector<1x1x16xf32>,
        %swap3A_678 = vector.shape_cast %swap3A_677 : vector<1x1x16xf32> to vector<16xf32>
        %swap3A_679 = vector.shape_cast %mul3A_672 : vector<16xf32> to vector<1x1x16xf32>
        tpu.vector_store %arg6[%swap3A_674, %swap3A_675, %swap3A_676], %swap3A_679 {strides = array<i32>} : memref<8x128x64xf32, #tpu.memory_space<vmem>>, vector<1x1x16xf32>,
        %get3A_680 = arith.constant 4 : i32
        %get3A_681 = arith.index_cast %get3A_680 : i32 to index
        %get3A_682 = arith.index_cast %add3A_649 : i32 to index
        %get3A_683 = arith.constant 32 : index
        %get3A_684 = tpu.vector_load %arg6[%get3A_681, %get3A_682, %get3A_683] {strides = array<i32>} : memref<8x128x64xf32, #tpu.memory_space<vmem>>, vector<1x1x16xf32>,
        %get3A_685 = vector.shape_cast %get3A_684 : vector<1x1x16xf32> to vector<16xf32>
        %mul3A_686 = arith.constant 8.000000e+00 : f32
        %mul3A_687 = vector.broadcast %mul3A_686 : f32 to vector<16xf32>
        %mul3A_688 = arith.mulf %get3A_685, %mul3A_687 : vector<16xf32>
        %swap3A_689 = arith.constant 4 : i32
        %swap3A_690 = arith.index_cast %swap3A_689 : i32 to index
        %swap3A_691 = arith.index_cast %add3A_649 : i32 to index
        %swap3A_692 = arith.constant 32 : index
        %swap3A_693 = tpu.vector_load %arg6[%swap3A_690, %swap3A_691, %swap3A_692] {strides = array<i32>} : memref<8x128x64xf32, #tpu.memory_space<vmem>>, vector<1x1x16xf32>,
        %swap3A_694 = vector.shape_cast %swap3A_693 : vector<1x1x16xf32> to vector<16xf32>
        %swap3A_695 = vector.shape_cast %mul3A_688 : vector<16xf32> to vector<1x1x16xf32>
        tpu.vector_store %arg6[%swap3A_690, %swap3A_691, %swap3A_692], %swap3A_695 {strides = array<i32>} : memref<8x128x64xf32, #tpu.memory_space<vmem>>, vector<1x1x16xf32>,
        %get3A_696 = arith.constant 4 : i32
        %get3A_697 = arith.index_cast %get3A_696 : i32 to index
        %get3A_698 = arith.index_cast %add3A_649 : i32 to index
        %get3A_699 = arith.constant 48 : index
        %get3A_700 = tpu.vector_load %arg6[%get3A_697, %get3A_698, %get3A_699] {strides = array<i32>} : memref<8x128x64xf32, #tpu.memory_space<vmem>>, vector<1x1x16xf32>,
        %get3A_701 = vector.shape_cast %get3A_700 : vector<1x1x16xf32> to vector<16xf32>
        %mul3A_702 = arith.constant 8.000000e+00 : f32
        %mul3A_703 = vector.broadcast %mul3A_702 : f32 to vector<16xf32>
        %mul3A_704 = arith.mulf %get3A_701, %mul3A_703 : vector<16xf32>
        %swap3A_705 = arith.constant 4 : i32
        %swap3A_706 = arith.index_cast %swap3A_705 : i32 to index
        %swap3A_707 = arith.index_cast %add3A_649 : i32 to index
        %swap3A_708 = arith.constant 48 : index
        %swap3A_709 = tpu.vector_load %arg6[%swap3A_706, %swap3A_707, %swap3A_708] {strides = array<i32>} : memref<8x128x64xf32, #tpu.memory_space<vmem>>, vector<1x1x16xf32>,
        %swap3A_710 = vector.shape_cast %swap3A_709 : vector<1x1x16xf32> to vector<16xf32>
        %swap3A_711 = vector.shape_cast %mul3A_704 : vector<16xf32> to vector<1x1x16xf32>
        tpu.vector_store %arg6[%swap3A_706, %swap3A_707, %swap3A_708], %swap3A_711 {strides = array<i32>} : memref<8x128x64xf32, #tpu.memory_space<vmem>>, vector<1x1x16xf32>,
      }
      %scan3A_510 = arith.constant 128 : i32
      %add3A_511 = arith.addi %multiple_of3A, %multiple_of3A_493 : i32
      %dma_start3A_512 = arith.constant 4 : i32
      %dma_start3A_513 = arith.constant 4 : i32
      %dma_start3A_514 = arith.constant 0 : i32
      %dma_start3A_515 = arith.constant 0 : i32
      %dma_start3A_516 = tpu.memref_slice %arg6[%dma_start3A_512, %dma_start3A_514, %dma_start3A_515] : memref<8x128x64xf32, #tpu.memory_space<vmem>> -> memref<1x128x64xf32, #tpu.memory_space<vmem>>
      %dma_start3A_517 = tpu.memref_squeeze %dma_start3A_516 : memref<1x128x64xf32, #tpu.memory_space<vmem>> -> memref<128x64xf32, #tpu.memory_space<vmem>>
      %dma_start3A_518 = arith.constant 0 : i32
      %dma_start3A_519 = tpu.memref_slice %arg4[%add3A_511, %dma_start3A_518] : memref<819200x128xf32, #tpu.memory_space<hbm>> -> memref<128x64xf32, #tpu.memory_space<hbm>>
      %dma_start3A_520 = tpu.memref_slice %arg8[%dma_start3A_513] : memref<8x!tpu.dma_semaphore, #tpu.memory_space<semaphore_mem>> -> memref<1x!tpu.dma_semaphore, #tpu.memory_space<semaphore_mem>>
      %dma_start3A_521 = tpu.memref_squeeze %dma_start3A_520 : memref<1x!tpu.dma_semaphore, #tpu.memory_space<semaphore_mem>> -> memref<!tpu.dma_semaphore, #tpu.memory_space<semaphore_mem>>
      %dma_start3A_522 = arith.constant 0 : i32
      %dma_start3A_523 = tpu.memref_slice %arg4[%add3A_511, %dma_start3A_522] : memref<819200x128xf32, #tpu.memory_space<hbm>> -> memref<128x64xf32, #tpu.memory_space<hbm>>
      %dma_start3A_524 = arith.constant 0 : i32
      %dma_start3A_525 = arith.constant 0 : i32
      %dma_start3A_526 = tpu.memref_slice %arg6[%dma_start3A_512, %dma_start3A_524, %dma_start3A_525] : memref<8x128x64xf32, #tpu.memory_space<vmem>> -> memref<1x128x64xf32, #tpu.memory_space<vmem>>
      %dma_start3A_527 = tpu.memref_squeeze %dma_start3A_526 : memref<1x128x64xf32, #tpu.memory_space<vmem>> -> memref<128x64xf32, #tpu.memory_space<vmem>>
      tpu.enqueue_dma source(%dma_start3A_527 : memref<128x64xf32, #tpu.memory_space<vmem>>) target(%dma_start3A_523 : memref<128x64xf32, #tpu.memory_space<hbm>>) target_semaphore(%dma_start3A_521 : memref<!tpu.dma_semaphore, #tpu.memory_space<semaphore_mem>>)
      %add3A_528 = arith.constant 5 : i32
      %add3A_529 = arith.addi %mul3A_159, %add3A_528 : i32
      %mul3A_530 = arith.constant 128 : i32
      %mul3A_531 = arith.muli %add3A_529, %mul3A_530 : i32
      %multiple_of3A_532 = tpu.assume_multiple %mul3A_531, 128 : i32
      %dma_wait3A_533 = arith.constant 5 : i32
      %dma_wait3A_534 = arith.constant 5 : i32
      %dma_wait3A_535 = arith.constant 0 : i32
      %dma_wait3A_536 = arith.constant 0 : i32
      %dma_wait3A_537 = tpu.memref_slice %arg6[%dma_wait3A_533, %dma_wait3A_535, %dma_wait3A_536] : memref<8x128x64xf32, #tpu.memory_space<vmem>> -> memref<1x128x64xf32, #tpu.memory_space<vmem>>
      %dma_wait3A_538 = tpu.memref_squeeze %dma_wait3A_537 : memref<1x128x64xf32, #tpu.memory_space<vmem>> -> memref<128x64xf32, #tpu.memory_space<vmem>>
      %dma_wait3A_539 = tpu.memref_slice %arg5[%multiple_of3A_271] : memref<25600xi32, #tpu.memory_space<vmem>> -> memref<128xi32, #tpu.memory_space<vmem>>
      %dma_wait3A_540 = arith.constant 0 : i32
      %dma_wait3A_541 = arith.constant 0 : i32
      %dma_wait3A_542 = tpu.memref_slice %arg2[%dma_wait3A_540, %dma_wait3A_541] : memref<2000000x64xf32, #tpu.memory_space<hbm>> -> memref<2000000x64xf32, #tpu.memory_space<hbm>>
      %dma_wait3A_543 = tpu.memref_slice %arg7[%dma_wait3A_534] : memref<8x!tpu.dma_semaphore, #tpu.memory_space<semaphore_mem>> -> memref<1x!tpu.dma_semaphore, #tpu.memory_space<semaphore_mem>>
      %dma_wait3A_544 = tpu.memref_squeeze %dma_wait3A_543 : memref<1x!tpu.dma_semaphore, #tpu.memory_space<semaphore_mem>> -> memref<!tpu.dma_semaphore, #tpu.memory_space<semaphore_mem>>
      tpu.wait_indirect_dma semaphore(%dma_wait3A_544 : memref<!tpu.dma_semaphore, #tpu.memory_space<semaphore_mem>>) src(%dma_wait3A_542 : memref<2000000x64xf32, #tpu.memory_space<hbm>>) dst(%dma_wait3A_538 : memref<128x64xf32, #tpu.memory_space<vmem>>)
      %scan3A_545 = arith.constant 0 : i32
      %scan3A_546 = arith.constant 128 : i32
      %scan3A_547 = arith.addi %scan3A_545, %scan3A_546 : i32
      %scan3A_548 = arith.constant 1 : i32
      scf.for %scan3A_645 = %scan3A_545 to %scan3A_547 step %scan3A_548  : i32 {
        %mul3A_646 = arith.constant 1 : i32
        %mul3A_647 = arith.muli %scan3A_645, %mul3A_646 : i32
        %add3A_648 = arith.constant 0 : i32
        %add3A_649 = arith.addi %add3A_648, %mul3A_647 : i32
        %get3A = arith.constant 5 : i32
        %get3A_650 = arith.index_cast %get3A : i32 to index
        %get3A_651 = arith.index_cast %add3A_649 : i32 to index
        %get3A_652 = arith.constant 0 : index
        %get3A_653 = tpu.vector_load %arg6[%get3A_650, %get3A_651, %get3A_652] {strides = array<i32>} : memref<8x128x64xf32, #tpu.memory_space<vmem>>, vector<1x1x16xf32>,
        %get3A_654 = vector.shape_cast %get3A_653 : vector<1x1x16xf32> to vector<16xf32>
        %mul3A_655 = arith.constant 8.000000e+00 : f32
        %mul3A_656 = vector.broadcast %mul3A_655 : f32 to vector<16xf32>
        %mul3A_657 = arith.mulf %get3A_654, %mul3A_656 : vector<16xf32>
        %swap3A = arith.constant 5 : i32
        %swap3A_658 = arith.index_cast %swap3A : i32 to index
        %swap3A_659 = arith.index_cast %add3A_649 : i32 to index
        %swap3A_660 = arith.constant 0 : index
        %swap3A_661 = tpu.vector_load %arg6[%swap3A_658, %swap3A_659, %swap3A_660] {strides = array<i32>} : memref<8x128x64xf32, #tpu.memory_space<vmem>>, vector<1x1x16xf32>,
        %swap3A_662 = vector.shape_cast %swap3A_661 : vector<1x1x16xf32> to vector<16xf32>
        %swap3A_663 = vector.shape_cast %mul3A_657 : vector<16xf32> to vector<1x1x16xf32>
        tpu.vector_store %arg6[%swap3A_658, %swap3A_659, %swap3A_660], %swap3A_663 {strides = array<i32>} : memref<8x128x64xf32, #tpu.memory_space<vmem>>, vector<1x1x16xf32>,
        %get3A_664 = arith.constant 5 : i32
        %get3A_665 = arith.index_cast %get3A_664 : i32 to index
        %get3A_666 = arith.index_cast %add3A_649 : i32 to index
        %get3A_667 = arith.constant 16 : index
        %get3A_668 = tpu.vector_load %arg6[%get3A_665, %get3A_666, %get3A_667] {strides = array<i32>} : memref<8x128x64xf32, #tpu.memory_space<vmem>>, vector<1x1x16xf32>,
        %get3A_669 = vector.shape_cast %get3A_668 : vector<1x1x16xf32> to vector<16xf32>
        %mul3A_670 = arith.constant 8.000000e+00 : f32
        %mul3A_671 = vector.broadcast %mul3A_670 : f32 to vector<16xf32>
        %mul3A_672 = arith.mulf %get3A_669, %mul3A_671 : vector<16xf32>
        %swap3A_673 = arith.constant 5 : i32
        %swap3A_674 = arith.index_cast %swap3A_673 : i32 to index
        %swap3A_675 = arith.index_cast %add3A_649 : i32 to index
        %swap3A_676 = arith.constant 16 : index
        %swap3A_677 = tpu.vector_load %arg6[%swap3A_674, %swap3A_675, %swap3A_676] {strides = array<i32>} : memref<8x128x64xf32, #tpu.memory_space<vmem>>, vector<1x1x16xf32>,
        %swap3A_678 = vector.shape_cast %swap3A_677 : vector<1x1x16xf32> to vector<16xf32>
        %swap3A_679 = vector.shape_cast %mul3A_672 : vector<16xf32> to vector<1x1x16xf32>
        tpu.vector_store %arg6[%swap3A_674, %swap3A_675, %swap3A_676], %swap3A_679 {strides = array<i32>} : memref<8x128x64xf32, #tpu.memory_space<vmem>>, vector<1x1x16xf32>,
        %get3A_680 = arith.constant 5 : i32
        %get3A_681 = arith.index_cast %get3A_680 : i32 to index
        %get3A_682 = arith.index_cast %add3A_649 : i32 to index
        %get3A_683 = arith.constant 32 : index
        %get3A_684 = tpu.vector_load %arg6[%get3A_681, %get3A_682, %get3A_683] {strides = array<i32>} : memref<8x128x64xf32, #tpu.memory_space<vmem>>, vector<1x1x16xf32>,
        %get3A_685 = vector.shape_cast %get3A_684 : vector<1x1x16xf32> to vector<16xf32>
        %mul3A_686 = arith.constant 8.000000e+00 : f32
        %mul3A_687 = vector.broadcast %mul3A_686 : f32 to vector<16xf32>
        %mul3A_688 = arith.mulf %get3A_685, %mul3A_687 : vector<16xf32>
        %swap3A_689 = arith.constant 5 : i32
        %swap3A_690 = arith.index_cast %swap3A_689 : i32 to index
        %swap3A_691 = arith.index_cast %add3A_649 : i32 to index
        %swap3A_692 = arith.constant 32 : index
        %swap3A_693 = tpu.vector_load %arg6[%swap3A_690, %swap3A_691, %swap3A_692] {strides = array<i32>} : memref<8x128x64xf32, #tpu.memory_space<vmem>>, vector<1x1x16xf32>,
        %swap3A_694 = vector.shape_cast %swap3A_693 : vector<1x1x16xf32> to vector<16xf32>
        %swap3A_695 = vector.shape_cast %mul3A_688 : vector<16xf32> to vector<1x1x16xf32>
        tpu.vector_store %arg6[%swap3A_690, %swap3A_691, %swap3A_692], %swap3A_695 {strides = array<i32>} : memref<8x128x64xf32, #tpu.memory_space<vmem>>, vector<1x1x16xf32>,
        %get3A_696 = arith.constant 5 : i32
        %get3A_697 = arith.index_cast %get3A_696 : i32 to index
        %get3A_698 = arith.index_cast %add3A_649 : i32 to index
        %get3A_699 = arith.constant 48 : index
        %get3A_700 = tpu.vector_load %arg6[%get3A_697, %get3A_698, %get3A_699] {strides = array<i32>} : memref<8x128x64xf32, #tpu.memory_space<vmem>>, vector<1x1x16xf32>,
        %get3A_701 = vector.shape_cast %get3A_700 : vector<1x1x16xf32> to vector<16xf32>
        %mul3A_702 = arith.constant 8.000000e+00 : f32
        %mul3A_703 = vector.broadcast %mul3A_702 : f32 to vector<16xf32>
        %mul3A_704 = arith.mulf %get3A_701, %mul3A_703 : vector<16xf32>
        %swap3A_705 = arith.constant 5 : i32
        %swap3A_706 = arith.index_cast %swap3A_705 : i32 to index
        %swap3A_707 = arith.index_cast %add3A_649 : i32 to index
        %swap3A_708 = arith.constant 48 : index
        %swap3A_709 = tpu.vector_load %arg6[%swap3A_706, %swap3A_707, %swap3A_708] {strides = array<i32>} : memref<8x128x64xf32, #tpu.memory_space<vmem>>, vector<1x1x16xf32>,
        %swap3A_710 = vector.shape_cast %swap3A_709 : vector<1x1x16xf32> to vector<16xf32>
        %swap3A_711 = vector.shape_cast %mul3A_704 : vector<16xf32> to vector<1x1x16xf32>
        tpu.vector_store %arg6[%swap3A_706, %swap3A_707, %swap3A_708], %swap3A_711 {strides = array<i32>} : memref<8x128x64xf32, #tpu.memory_space<vmem>>, vector<1x1x16xf32>,
      }
      %scan3A_549 = arith.constant 128 : i32
      %add3A_550 = arith.addi %multiple_of3A, %multiple_of3A_532 : i32
      %dma_start3A_551 = arith.constant 5 : i32
      %dma_start3A_552 = arith.constant 5 : i32
      %dma_start3A_553 = arith.constant 0 : i32
      %dma_start3A_554 = arith.constant 0 : i32
      %dma_start3A_555 = tpu.memref_slice %arg6[%dma_start3A_551, %dma_start3A_553, %dma_start3A_554] : memref<8x128x64xf32, #tpu.memory_space<vmem>> -> memref<1x128x64xf32, #tpu.memory_space<vmem>>
      %dma_start3A_556 = tpu.memref_squeeze %dma_start3A_555 : memref<1x128x64xf32, #tpu.memory_space<vmem>> -> memref<128x64xf32, #tpu.memory_space<vmem>>
      %dma_start3A_557 = arith.constant 0 : i32
      %dma_start3A_558 = tpu.memref_slice %arg4[%add3A_550, %dma_start3A_557] : memref<819200x128xf32, #tpu.memory_space<hbm>> -> memref<128x64xf32, #tpu.memory_space<hbm>>
      %dma_start3A_559 = tpu.memref_slice %arg8[%dma_start3A_552] : memref<8x!tpu.dma_semaphore, #tpu.memory_space<semaphore_mem>> -> memref<1x!tpu.dma_semaphore, #tpu.memory_space<semaphore_mem>>
      %dma_start3A_560 = tpu.memref_squeeze %dma_start3A_559 : memref<1x!tpu.dma_semaphore, #tpu.memory_space<semaphore_mem>> -> memref<!tpu.dma_semaphore, #tpu.memory_space<semaphore_mem>>
      %dma_start3A_561 = arith.constant 0 : i32
      %dma_start3A_562 = tpu.memref_slice %arg4[%add3A_550, %dma_start3A_561] : memref<819200x128xf32, #tpu.memory_space<hbm>> -> memref<128x64xf32, #tpu.memory_space<hbm>>
      %dma_start3A_563 = arith.constant 0 : i32
      %dma_start3A_564 = arith.constant 0 : i32
      %dma_start3A_565 = tpu.memref_slice %arg6[%dma_start3A_551, %dma_start3A_563, %dma_start3A_564] : memref<8x128x64xf32, #tpu.memory_space<vmem>> -> memref<1x128x64xf32, #tpu.memory_space<vmem>>
      %dma_start3A_566 = tpu.memref_squeeze %dma_start3A_565 : memref<1x128x64xf32, #tpu.memory_space<vmem>> -> memref<128x64xf32, #tpu.memory_space<vmem>>
      tpu.enqueue_dma source(%dma_start3A_566 : memref<128x64xf32, #tpu.memory_space<vmem>>) target(%dma_start3A_562 : memref<128x64xf32, #tpu.memory_space<hbm>>) target_semaphore(%dma_start3A_560 : memref<!tpu.dma_semaphore, #tpu.memory_space<semaphore_mem>>)
      %add3A_567 = arith.constant 6 : i32
      %add3A_568 = arith.addi %mul3A_159, %add3A_567 : i32
      %mul3A_569 = arith.constant 128 : i32
      %mul3A_570 = arith.muli %add3A_568, %mul3A_569 : i32
      %multiple_of3A_571 = tpu.assume_multiple %mul3A_570, 128 : i32
      %dma_wait3A_572 = arith.constant 6 : i32
      %dma_wait3A_573 = arith.constant 6 : i32
      %dma_wait3A_574 = arith.constant 0 : i32
      %dma_wait3A_575 = arith.constant 0 : i32
      %dma_wait3A_576 = tpu.memref_slice %arg6[%dma_wait3A_572, %dma_wait3A_574, %dma_wait3A_575] : memref<8x128x64xf32, #tpu.memory_space<vmem>> -> memref<1x128x64xf32, #tpu.memory_space<vmem>>
      %dma_wait3A_577 = tpu.memref_squeeze %dma_wait3A_576 : memref<1x128x64xf32, #tpu.memory_space<vmem>> -> memref<128x64xf32, #tpu.memory_space<vmem>>
      %dma_wait3A_578 = tpu.memref_slice %arg5[%multiple_of3A_293] : memref<25600xi32, #tpu.memory_space<vmem>> -> memref<128xi32, #tpu.memory_space<vmem>>
      %dma_wait3A_579 = arith.constant 0 : i32
      %dma_wait3A_580 = arith.constant 0 : i32
      %dma_wait3A_581 = tpu.memref_slice %arg2[%dma_wait3A_579, %dma_wait3A_580] : memref<2000000x64xf32, #tpu.memory_space<hbm>> -> memref<2000000x64xf32, #tpu.memory_space<hbm>>
      %dma_wait3A_582 = tpu.memref_slice %arg7[%dma_wait3A_573] : memref<8x!tpu.dma_semaphore, #tpu.memory_space<semaphore_mem>> -> memref<1x!tpu.dma_semaphore, #tpu.memory_space<semaphore_mem>>
      %dma_wait3A_583 = tpu.memref_squeeze %dma_wait3A_582 : memref<1x!tpu.dma_semaphore, #tpu.memory_space<semaphore_mem>> -> memref<!tpu.dma_semaphore, #tpu.memory_space<semaphore_mem>>
      tpu.wait_indirect_dma semaphore(%dma_wait3A_583 : memref<!tpu.dma_semaphore, #tpu.memory_space<semaphore_mem>>) src(%dma_wait3A_581 : memref<2000000x64xf32, #tpu.memory_space<hbm>>) dst(%dma_wait3A_577 : memref<128x64xf32, #tpu.memory_space<vmem>>)
      %scan3A_584 = arith.constant 0 : i32
      %scan3A_585 = arith.constant 128 : i32
      %scan3A_586 = arith.addi %scan3A_584, %scan3A_585 : i32
      %scan3A_587 = arith.constant 1 : i32
      scf.for %scan3A_645 = %scan3A_584 to %scan3A_586 step %scan3A_587  : i32 {
        %mul3A_646 = arith.constant 1 : i32
        %mul3A_647 = arith.muli %scan3A_645, %mul3A_646 : i32
        %add3A_648 = arith.constant 0 : i32
        %add3A_649 = arith.addi %add3A_648, %mul3A_647 : i32
        %get3A = arith.constant 6 : i32
        %get3A_650 = arith.index_cast %get3A : i32 to index
        %get3A_651 = arith.index_cast %add3A_649 : i32 to index
        %get3A_652 = arith.constant 0 : index
        %get3A_653 = tpu.vector_load %arg6[%get3A_650, %get3A_651, %get3A_652] {strides = array<i32>} : memref<8x128x64xf32, #tpu.memory_space<vmem>>, vector<1x1x16xf32>,
        %get3A_654 = vector.shape_cast %get3A_653 : vector<1x1x16xf32> to vector<16xf32>
        %mul3A_655 = arith.constant 8.000000e+00 : f32
        %mul3A_656 = vector.broadcast %mul3A_655 : f32 to vector<16xf32>
        %mul3A_657 = arith.mulf %get3A_654, %mul3A_656 : vector<16xf32>
        %swap3A = arith.constant 6 : i32
        %swap3A_658 = arith.index_cast %swap3A : i32 to index
        %swap3A_659 = arith.index_cast %add3A_649 : i32 to index
        %swap3A_660 = arith.constant 0 : index
        %swap3A_661 = tpu.vector_load %arg6[%swap3A_658, %swap3A_659, %swap3A_660] {strides = array<i32>} : memref<8x128x64xf32, #tpu.memory_space<vmem>>, vector<1x1x16xf32>,
        %swap3A_662 = vector.shape_cast %swap3A_661 : vector<1x1x16xf32> to vector<16xf32>
        %swap3A_663 = vector.shape_cast %mul3A_657 : vector<16xf32> to vector<1x1x16xf32>
        tpu.vector_store %arg6[%swap3A_658, %swap3A_659, %swap3A_660], %swap3A_663 {strides = array<i32>} : memref<8x128x64xf32, #tpu.memory_space<vmem>>, vector<1x1x16xf32>,
        %get3A_664 = arith.constant 6 : i32
        %get3A_665 = arith.index_cast %get3A_664 : i32 to index
        %get3A_666 = arith.index_cast %add3A_649 : i32 to index
        %get3A_667 = arith.constant 16 : index
        %get3A_668 = tpu.vector_load %arg6[%get3A_665, %get3A_666, %get3A_667] {strides = array<i32>} : memref<8x128x64xf32, #tpu.memory_space<vmem>>, vector<1x1x16xf32>,
        %get3A_669 = vector.shape_cast %get3A_668 : vector<1x1x16xf32> to vector<16xf32>
        %mul3A_670 = arith.constant 8.000000e+00 : f32
        %mul3A_671 = vector.broadcast %mul3A_670 : f32 to vector<16xf32>
        %mul3A_672 = arith.mulf %get3A_669, %mul3A_671 : vector<16xf32>
        %swap3A_673 = arith.constant 6 : i32
        %swap3A_674 = arith.index_cast %swap3A_673 : i32 to index
        %swap3A_675 = arith.index_cast %add3A_649 : i32 to index
        %swap3A_676 = arith.constant 16 : index
        %swap3A_677 = tpu.vector_load %arg6[%swap3A_674, %swap3A_675, %swap3A_676] {strides = array<i32>} : memref<8x128x64xf32, #tpu.memory_space<vmem>>, vector<1x1x16xf32>,
        %swap3A_678 = vector.shape_cast %swap3A_677 : vector<1x1x16xf32> to vector<16xf32>
        %swap3A_679 = vector.shape_cast %mul3A_672 : vector<16xf32> to vector<1x1x16xf32>
        tpu.vector_store %arg6[%swap3A_674, %swap3A_675, %swap3A_676], %swap3A_679 {strides = array<i32>} : memref<8x128x64xf32, #tpu.memory_space<vmem>>, vector<1x1x16xf32>,
        %get3A_680 = arith.constant 6 : i32
        %get3A_681 = arith.index_cast %get3A_680 : i32 to index
        %get3A_682 = arith.index_cast %add3A_649 : i32 to index
        %get3A_683 = arith.constant 32 : index
        %get3A_684 = tpu.vector_load %arg6[%get3A_681, %get3A_682, %get3A_683] {strides = array<i32>} : memref<8x128x64xf32, #tpu.memory_space<vmem>>, vector<1x1x16xf32>,
        %get3A_685 = vector.shape_cast %get3A_684 : vector<1x1x16xf32> to vector<16xf32>
        %mul3A_686 = arith.constant 8.000000e+00 : f32
        %mul3A_687 = vector.broadcast %mul3A_686 : f32 to vector<16xf32>
        %mul3A_688 = arith.mulf %get3A_685, %mul3A_687 : vector<16xf32>
        %swap3A_689 = arith.constant 6 : i32
        %swap3A_690 = arith.index_cast %swap3A_689 : i32 to index
        %swap3A_691 = arith.index_cast %add3A_649 : i32 to index
        %swap3A_692 = arith.constant 32 : index
        %swap3A_693 = tpu.vector_load %arg6[%swap3A_690, %swap3A_691, %swap3A_692] {strides = array<i32>} : memref<8x128x64xf32, #tpu.memory_space<vmem>>, vector<1x1x16xf32>,
        %swap3A_694 = vector.shape_cast %swap3A_693 : vector<1x1x16xf32> to vector<16xf32>
        %swap3A_695 = vector.shape_cast %mul3A_688 : vector<16xf32> to vector<1x1x16xf32>
        tpu.vector_store %arg6[%swap3A_690, %swap3A_691, %swap3A_692], %swap3A_695 {strides = array<i32>} : memref<8x128x64xf32, #tpu.memory_space<vmem>>, vector<1x1x16xf32>,
        %get3A_696 = arith.constant 6 : i32
        %get3A_697 = arith.index_cast %get3A_696 : i32 to index
        %get3A_698 = arith.index_cast %add3A_649 : i32 to index
        %get3A_699 = arith.constant 48 : index
        %get3A_700 = tpu.vector_load %arg6[%get3A_697, %get3A_698, %get3A_699] {strides = array<i32>} : memref<8x128x64xf32, #tpu.memory_space<vmem>>, vector<1x1x16xf32>,
        %get3A_701 = vector.shape_cast %get3A_700 : vector<1x1x16xf32> to vector<16xf32>
        %mul3A_702 = arith.constant 8.000000e+00 : f32
        %mul3A_703 = vector.broadcast %mul3A_702 : f32 to vector<16xf32>
        %mul3A_704 = arith.mulf %get3A_701, %mul3A_703 : vector<16xf32>
        %swap3A_705 = arith.constant 6 : i32
        %swap3A_706 = arith.index_cast %swap3A_705 : i32 to index
        %swap3A_707 = arith.index_cast %add3A_649 : i32 to index
        %swap3A_708 = arith.constant 48 : index
        %swap3A_709 = tpu.vector_load %arg6[%swap3A_706, %swap3A_707, %swap3A_708] {strides = array<i32>} : memref<8x128x64xf32, #tpu.memory_space<vmem>>, vector<1x1x16xf32>,
        %swap3A_710 = vector.shape_cast %swap3A_709 : vector<1x1x16xf32> to vector<16xf32>
        %swap3A_711 = vector.shape_cast %mul3A_704 : vector<16xf32> to vector<1x1x16xf32>
        tpu.vector_store %arg6[%swap3A_706, %swap3A_707, %swap3A_708], %swap3A_711 {strides = array<i32>} : memref<8x128x64xf32, #tpu.memory_space<vmem>>, vector<1x1x16xf32>,
      }
      %scan3A_588 = arith.constant 128 : i32
      %add3A_589 = arith.addi %multiple_of3A, %multiple_of3A_571 : i32
      %dma_start3A_590 = arith.constant 6 : i32
      %dma_start3A_591 = arith.constant 6 : i32
      %dma_start3A_592 = arith.constant 0 : i32
      %dma_start3A_593 = arith.constant 0 : i32
      %dma_start3A_594 = tpu.memref_slice %arg6[%dma_start3A_590, %dma_start3A_592, %dma_start3A_593] : memref<8x128x64xf32, #tpu.memory_space<vmem>> -> memref<1x128x64xf32, #tpu.memory_space<vmem>>
      %dma_start3A_595 = tpu.memref_squeeze %dma_start3A_594 : memref<1x128x64xf32, #tpu.memory_space<vmem>> -> memref<128x64xf32, #tpu.memory_space<vmem>>
      %dma_start3A_596 = arith.constant 0 : i32
      %dma_start3A_597 = tpu.memref_slice %arg4[%add3A_589, %dma_start3A_596] : memref<819200x128xf32, #tpu.memory_space<hbm>> -> memref<128x64xf32, #tpu.memory_space<hbm>>
      %dma_start3A_598 = tpu.memref_slice %arg8[%dma_start3A_591] : memref<8x!tpu.dma_semaphore, #tpu.memory_space<semaphore_mem>> -> memref<1x!tpu.dma_semaphore, #tpu.memory_space<semaphore_mem>>
      %dma_start3A_599 = tpu.memref_squeeze %dma_start3A_598 : memref<1x!tpu.dma_semaphore, #tpu.memory_space<semaphore_mem>> -> memref<!tpu.dma_semaphore, #tpu.memory_space<semaphore_mem>>
      %dma_start3A_600 = arith.constant 0 : i32
      %dma_start3A_601 = tpu.memref_slice %arg4[%add3A_589, %dma_start3A_600] : memref<819200x128xf32, #tpu.memory_space<hbm>> -> memref<128x64xf32, #tpu.memory_space<hbm>>
      %dma_start3A_602 = arith.constant 0 : i32
      %dma_start3A_603 = arith.constant 0 : i32
      %dma_start3A_604 = tpu.memref_slice %arg6[%dma_start3A_590, %dma_start3A_602, %dma_start3A_603] : memref<8x128x64xf32, #tpu.memory_space<vmem>> -> memref<1x128x64xf32, #tpu.memory_space<vmem>>
      %dma_start3A_605 = tpu.memref_squeeze %dma_start3A_604 : memref<1x128x64xf32, #tpu.memory_space<vmem>> -> memref<128x64xf32, #tpu.memory_space<vmem>>
      tpu.enqueue_dma source(%dma_start3A_605 : memref<128x64xf32, #tpu.memory_space<vmem>>) target(%dma_start3A_601 : memref<128x64xf32, #tpu.memory_space<hbm>>) target_semaphore(%dma_start3A_599 : memref<!tpu.dma_semaphore, #tpu.memory_space<semaphore_mem>>)
      %add3A_606 = arith.constant 7 : i32
      %add3A_607 = arith.addi %mul3A_159, %add3A_606 : i32
      %mul3A_608 = arith.constant 128 : i32
      %mul3A_609 = arith.muli %add3A_607, %mul3A_608 : i32
      %multiple_of3A_610 = tpu.assume_multiple %mul3A_609, 128 : i32
      %dma_wait3A_611 = arith.constant 7 : i32
      %dma_wait3A_612 = arith.constant 7 : i32
      %dma_wait3A_613 = arith.constant 0 : i32
      %dma_wait3A_614 = arith.constant 0 : i32
      %dma_wait3A_615 = tpu.memref_slice %arg6[%dma_wait3A_611, %dma_wait3A_613, %dma_wait3A_614] : memref<8x128x64xf32, #tpu.memory_space<vmem>> -> memref<1x128x64xf32, #tpu.memory_space<vmem>>
      %dma_wait3A_616 = tpu.memref_squeeze %dma_wait3A_615 : memref<1x128x64xf32, #tpu.memory_space<vmem>> -> memref<128x64xf32, #tpu.memory_space<vmem>>
      %dma_wait3A_617 = tpu.memref_slice %arg5[%multiple_of3A_315] : memref<25600xi32, #tpu.memory_space<vmem>> -> memref<128xi32, #tpu.memory_space<vmem>>
      %dma_wait3A_618 = arith.constant 0 : i32
      %dma_wait3A_619 = arith.constant 0 : i32
      %dma_wait3A_620 = tpu.memref_slice %arg2[%dma_wait3A_618, %dma_wait3A_619] : memref<2000000x64xf32, #tpu.memory_space<hbm>> -> memref<2000000x64xf32, #tpu.memory_space<hbm>>
      %dma_wait3A_621 = tpu.memref_slice %arg7[%dma_wait3A_612] : memref<8x!tpu.dma_semaphore, #tpu.memory_space<semaphore_mem>> -> memref<1x!tpu.dma_semaphore, #tpu.memory_space<semaphore_mem>>
      %dma_wait3A_622 = tpu.memref_squeeze %dma_wait3A_621 : memref<1x!tpu.dma_semaphore, #tpu.memory_space<semaphore_mem>> -> memref<!tpu.dma_semaphore, #tpu.memory_space<semaphore_mem>>
      tpu.wait_indirect_dma semaphore(%dma_wait3A_622 : memref<!tpu.dma_semaphore, #tpu.memory_space<semaphore_mem>>) src(%dma_wait3A_620 : memref<2000000x64xf32, #tpu.memory_space<hbm>>) dst(%dma_wait3A_616 : memref<128x64xf32, #tpu.memory_space<vmem>>)
      %scan3A_623 = arith.constant 0 : i32
      %scan3A_624 = arith.constant 128 : i32
      %scan3A_625 = arith.addi %scan3A_623, %scan3A_624 : i32
      %scan3A_626 = arith.constant 1 : i32
      scf.for %scan3A_645 = %scan3A_623 to %scan3A_625 step %scan3A_626  : i32 {
        %mul3A_646 = arith.constant 1 : i32
        %mul3A_647 = arith.muli %scan3A_645, %mul3A_646 : i32
        %add3A_648 = arith.constant 0 : i32
        %add3A_649 = arith.addi %add3A_648, %mul3A_647 : i32
        %get3A = arith.constant 7 : i32
        %get3A_650 = arith.index_cast %get3A : i32 to index
        %get3A_651 = arith.index_cast %add3A_649 : i32 to index
        %get3A_652 = arith.constant 0 : index
        %get3A_653 = tpu.vector_load %arg6[%get3A_650, %get3A_651, %get3A_652] {strides = array<i32>} : memref<8x128x64xf32, #tpu.memory_space<vmem>>, vector<1x1x16xf32>,
        %get3A_654 = vector.shape_cast %get3A_653 : vector<1x1x16xf32> to vector<16xf32>
        %mul3A_655 = arith.constant 8.000000e+00 : f32
        %mul3A_656 = vector.broadcast %mul3A_655 : f32 to vector<16xf32>
        %mul3A_657 = arith.mulf %get3A_654, %mul3A_656 : vector<16xf32>
        %swap3A = arith.constant 7 : i32
        %swap3A_658 = arith.index_cast %swap3A : i32 to index
        %swap3A_659 = arith.index_cast %add3A_649 : i32 to index
        %swap3A_660 = arith.constant 0 : index
        %swap3A_661 = tpu.vector_load %arg6[%swap3A_658, %swap3A_659, %swap3A_660] {strides = array<i32>} : memref<8x128x64xf32, #tpu.memory_space<vmem>>, vector<1x1x16xf32>,
        %swap3A_662 = vector.shape_cast %swap3A_661 : vector<1x1x16xf32> to vector<16xf32>
        %swap3A_663 = vector.shape_cast %mul3A_657 : vector<16xf32> to vector<1x1x16xf32>
        tpu.vector_store %arg6[%swap3A_658, %swap3A_659, %swap3A_660], %swap3A_663 {strides = array<i32>} : memref<8x128x64xf32, #tpu.memory_space<vmem>>, vector<1x1x16xf32>,
        %get3A_664 = arith.constant 7 : i32
        %get3A_665 = arith.index_cast %get3A_664 : i32 to index
        %get3A_666 = arith.index_cast %add3A_649 : i32 to index
        %get3A_667 = arith.constant 16 : index
        %get3A_668 = tpu.vector_load %arg6[%get3A_665, %get3A_666, %get3A_667] {strides = array<i32>} : memref<8x128x64xf32, #tpu.memory_space<vmem>>, vector<1x1x16xf32>,
        %get3A_669 = vector.shape_cast %get3A_668 : vector<1x1x16xf32> to vector<16xf32>
        %mul3A_670 = arith.constant 8.000000e+00 : f32
        %mul3A_671 = vector.broadcast %mul3A_670 : f32 to vector<16xf32>
        %mul3A_672 = arith.mulf %get3A_669, %mul3A_671 : vector<16xf32>
        %swap3A_673 = arith.constant 7 : i32
        %swap3A_674 = arith.index_cast %swap3A_673 : i32 to index
        %swap3A_675 = arith.index_cast %add3A_649 : i32 to index
        %swap3A_676 = arith.constant 16 : index
        %swap3A_677 = tpu.vector_load %arg6[%swap3A_674, %swap3A_675, %swap3A_676] {strides = array<i32>} : memref<8x128x64xf32, #tpu.memory_space<vmem>>, vector<1x1x16xf32>,
        %swap3A_678 = vector.shape_cast %swap3A_677 : vector<1x1x16xf32> to vector<16xf32>
        %swap3A_679 = vector.shape_cast %mul3A_672 : vector<16xf32> to vector<1x1x16xf32>
        tpu.vector_store %arg6[%swap3A_674, %swap3A_675, %swap3A_676], %swap3A_679 {strides = array<i32>} : memref<8x128x64xf32, #tpu.memory_space<vmem>>, vector<1x1x16xf32>,
        %get3A_680 = arith.constant 7 : i32
        %get3A_681 = arith.index_cast %get3A_680 : i32 to index
        %get3A_682 = arith.index_cast %add3A_649 : i32 to index
        %get3A_683 = arith.constant 32 : index
        %get3A_684 = tpu.vector_load %arg6[%get3A_681, %get3A_682, %get3A_683] {strides = array<i32>} : memref<8x128x64xf32, #tpu.memory_space<vmem>>, vector<1x1x16xf32>,
        %get3A_685 = vector.shape_cast %get3A_684 : vector<1x1x16xf32> to vector<16xf32>
        %mul3A_686 = arith.constant 8.000000e+00 : f32
        %mul3A_687 = vector.broadcast %mul3A_686 : f32 to vector<16xf32>
        %mul3A_688 = arith.mulf %get3A_685, %mul3A_687 : vector<16xf32>
        %swap3A_689 = arith.constant 7 : i32
        %swap3A_690 = arith.index_cast %swap3A_689 : i32 to index
        %swap3A_691 = arith.index_cast %add3A_649 : i32 to index
        %swap3A_692 = arith.constant 32 : index
        %swap3A_693 = tpu.vector_load %arg6[%swap3A_690, %swap3A_691, %swap3A_692] {strides = array<i32>} : memref<8x128x64xf32, #tpu.memory_space<vmem>>, vector<1x1x16xf32>,
        %swap3A_694 = vector.shape_cast %swap3A_693 : vector<1x1x16xf32> to vector<16xf32>
        %swap3A_695 = vector.shape_cast %mul3A_688 : vector<16xf32> to vector<1x1x16xf32>
        tpu.vector_store %arg6[%swap3A_690, %swap3A_691, %swap3A_692], %swap3A_695 {strides = array<i32>} : memref<8x128x64xf32, #tpu.memory_space<vmem>>, vector<1x1x16xf32>,
        %get3A_696 = arith.constant 7 : i32
        %get3A_697 = arith.index_cast %get3A_696 : i32 to index
        %get3A_698 = arith.index_cast %add3A_649 : i32 to index
        %get3A_699 = arith.constant 48 : index
        %get3A_700 = tpu.vector_load %arg6[%get3A_697, %get3A_698, %get3A_699] {strides = array<i32>} : memref<8x128x64xf32, #tpu.memory_space<vmem>>, vector<1x1x16xf32>,
        %get3A_701 = vector.shape_cast %get3A_700 : vector<1x1x16xf32> to vector<16xf32>
        %mul3A_702 = arith.constant 8.000000e+00 : f32
        %mul3A_703 = vector.broadcast %mul3A_702 : f32 to vector<16xf32>
        %mul3A_704 = arith.mulf %get3A_701, %mul3A_703 : vector<16xf32>
        %swap3A_705 = arith.constant 7 : i32
        %swap3A_706 = arith.index_cast %swap3A_705 : i32 to index
        %swap3A_707 = arith.index_cast %add3A_649 : i32 to index
        %swap3A_708 = arith.constant 48 : index
        %swap3A_709 = tpu.vector_load %arg6[%swap3A_706, %swap3A_707, %swap3A_708] {strides = array<i32>} : memref<8x128x64xf32, #tpu.memory_space<vmem>>, vector<1x1x16xf32>,
        %swap3A_710 = vector.shape_cast %swap3A_709 : vector<1x1x16xf32> to vector<16xf32>
        %swap3A_711 = vector.shape_cast %mul3A_704 : vector<16xf32> to vector<1x1x16xf32>
        tpu.vector_store %arg6[%swap3A_706, %swap3A_707, %swap3A_708], %swap3A_711 {strides = array<i32>} : memref<8x128x64xf32, #tpu.memory_space<vmem>>, vector<1x1x16xf32>,
      }
      %scan3A_627 = arith.constant 128 : i32
      %add3A_628 = arith.addi %multiple_of3A, %multiple_of3A_610 : i32
      %dma_start3A_629 = arith.constant 7 : i32
      %dma_start3A_630 = arith.constant 7 : i32
      %dma_start3A_631 = arith.constant 0 : i32
      %dma_start3A_632 = arith.constant 0 : i32
      %dma_start3A_633 = tpu.memref_slice %arg6[%dma_start3A_629, %dma_start3A_631, %dma_start3A_632] : memref<8x128x64xf32, #tpu.memory_space<vmem>> -> memref<1x128x64xf32, #tpu.memory_space<vmem>>
      %dma_start3A_634 = tpu.memref_squeeze %dma_start3A_633 : memref<1x128x64xf32, #tpu.memory_space<vmem>> -> memref<128x64xf32, #tpu.memory_space<vmem>>
      %dma_start3A_635 = arith.constant 0 : i32
      %dma_start3A_636 = tpu.memref_slice %arg4[%add3A_628, %dma_start3A_635] : memref<819200x128xf32, #tpu.memory_space<hbm>> -> memref<128x64xf32, #tpu.memory_space<hbm>>
      %dma_start3A_637 = tpu.memref_slice %arg8[%dma_start3A_630] : memref<8x!tpu.dma_semaphore, #tpu.memory_space<semaphore_mem>> -> memref<1x!tpu.dma_semaphore, #tpu.memory_space<semaphore_mem>>
      %dma_start3A_638 = tpu.memref_squeeze %dma_start3A_637 : memref<1x!tpu.dma_semaphore, #tpu.memory_space<semaphore_mem>> -> memref<!tpu.dma_semaphore, #tpu.memory_space<semaphore_mem>>
      %dma_start3A_639 = arith.constant 0 : i32
      %dma_start3A_640 = tpu.memref_slice %arg4[%add3A_628, %dma_start3A_639] : memref<819200x128xf32, #tpu.memory_space<hbm>> -> memref<128x64xf32, #tpu.memory_space<hbm>>
      %dma_start3A_641 = arith.constant 0 : i32
      %dma_start3A_642 = arith.constant 0 : i32
      %dma_start3A_643 = tpu.memref_slice %arg6[%dma_start3A_629, %dma_start3A_641, %dma_start3A_642] : memref<8x128x64xf32, #tpu.memory_space<vmem>> -> memref<1x128x64xf32, #tpu.memory_space<vmem>>
      %dma_start3A_644 = tpu.memref_squeeze %dma_start3A_643 : memref<1x128x64xf32, #tpu.memory_space<vmem>> -> memref<128x64xf32, #tpu.memory_space<vmem>>
      tpu.enqueue_dma source(%dma_start3A_644 : memref<128x64xf32, #tpu.memory_space<vmem>>) target(%dma_start3A_640 : memref<128x64xf32, #tpu.memory_space<hbm>>) target_semaphore(%dma_start3A_638 : memref<!tpu.dma_semaphore, #tpu.memory_space<semaphore_mem>>)
    }
    %scan3A_8 = arith.constant 25 : i32
    %add3A_9 = arith.constant 24576 : i32
    %add3A_10 = arith.addi %multiple_of3A, %add3A_9 : i32
    %dma_wait3A_11 = arith.constant 0 : i32
    %dma_wait3A_12 = arith.constant 0 : i32
    %dma_wait3A_13 = arith.constant 0 : i32
    %dma_wait3A_14 = arith.constant 0 : i32
    %dma_wait3A_15 = tpu.memref_slice %arg6[%dma_wait3A_11, %dma_wait3A_13, %dma_wait3A_14] : memref<8x128x64xf32, #tpu.memory_space<vmem>> -> memref<1x128x64xf32, #tpu.memory_space<vmem>>
    %dma_wait3A_16 = tpu.memref_squeeze %dma_wait3A_15 : memref<1x128x64xf32, #tpu.memory_space<vmem>> -> memref<128x64xf32, #tpu.memory_space<vmem>>
    %dma_wait3A_17 = arith.constant 0 : i32
    %dma_wait3A_18 = tpu.memref_slice %arg4[%add3A_10, %dma_wait3A_17] : memref<819200x128xf32, #tpu.memory_space<hbm>> -> memref<128x64xf32, #tpu.memory_space<hbm>>
    %dma_wait3A_19 = tpu.memref_slice %arg8[%dma_wait3A_12] : memref<8x!tpu.dma_semaphore, #tpu.memory_space<semaphore_mem>> -> memref<1x!tpu.dma_semaphore, #tpu.memory_space<semaphore_mem>>
    %dma_wait3A_20 = tpu.memref_squeeze %dma_wait3A_19 : memref<1x!tpu.dma_semaphore, #tpu.memory_space<semaphore_mem>> -> memref<!tpu.dma_semaphore, #tpu.memory_space<semaphore_mem>>
    %dma_wait3A_21 = arith.constant 0 : i32
    %dma_wait3A_22 = tpu.memref_slice %arg4[%add3A_10, %dma_wait3A_21] : memref<819200x128xf32, #tpu.memory_space<hbm>> -> memref<128x64xf32, #tpu.memory_space<hbm>>
    %dma_wait3A_23 = arith.constant 0 : i32
    %dma_wait3A_24 = arith.constant 0 : i32
    %dma_wait3A_25 = tpu.memref_slice %arg6[%dma_wait3A_11, %dma_wait3A_23, %dma_wait3A_24] : memref<8x128x64xf32, #tpu.memory_space<vmem>> -> memref<1x128x64xf32, #tpu.memory_space<vmem>>
    %dma_wait3A_26 = tpu.memref_squeeze %dma_wait3A_25 : memref<1x128x64xf32, #tpu.memory_space<vmem>> -> memref<128x64xf32, #tpu.memory_space<vmem>>
    tpu.wait_dma2 semaphore(%dma_wait3A_20 : memref<!tpu.dma_semaphore, #tpu.memory_space<semaphore_mem>>) src(%dma_wait3A_26 : memref<128x64xf32, #tpu.memory_space<vmem>>) dst(%dma_wait3A_22 : memref<128x64xf32, #tpu.memory_space<hbm>>)
    %add3A_27 = arith.constant 24704 : i32
    %add3A_28 = arith.addi %multiple_of3A, %add3A_27 : i32
    %dma_wait3A_29 = arith.constant 1 : i32
    %dma_wait3A_30 = arith.constant 1 : i32
    %dma_wait3A_31 = arith.constant 0 : i32
    %dma_wait3A_32 = arith.constant 0 : i32
    %dma_wait3A_33 = tpu.memref_slice %arg6[%dma_wait3A_29, %dma_wait3A_31, %dma_wait3A_32] : memref<8x128x64xf32, #tpu.memory_space<vmem>> -> memref<1x128x64xf32, #tpu.memory_space<vmem>>
    %dma_wait3A_34 = tpu.memref_squeeze %dma_wait3A_33 : memref<1x128x64xf32, #tpu.memory_space<vmem>> -> memref<128x64xf32, #tpu.memory_space<vmem>>
    %dma_wait3A_35 = arith.constant 0 : i32
    %dma_wait3A_36 = tpu.memref_slice %arg4[%add3A_28, %dma_wait3A_35] : memref<819200x128xf32, #tpu.memory_space<hbm>> -> memref<128x64xf32, #tpu.memory_space<hbm>>
    %dma_wait3A_37 = tpu.memref_slice %arg8[%dma_wait3A_30] : memref<8x!tpu.dma_semaphore, #tpu.memory_space<semaphore_mem>> -> memref<1x!tpu.dma_semaphore, #tpu.memory_space<semaphore_mem>>
    %dma_wait3A_38 = tpu.memref_squeeze %dma_wait3A_37 : memref<1x!tpu.dma_semaphore, #tpu.memory_space<semaphore_mem>> -> memref<!tpu.dma_semaphore, #tpu.memory_space<semaphore_mem>>
    %dma_wait3A_39 = arith.constant 0 : i32
    %dma_wait3A_40 = tpu.memref_slice %arg4[%add3A_28, %dma_wait3A_39] : memref<819200x128xf32, #tpu.memory_space<hbm>> -> memref<128x64xf32, #tpu.memory_space<hbm>>
    %dma_wait3A_41 = arith.constant 0 : i32
    %dma_wait3A_42 = arith.constant 0 : i32
    %dma_wait3A_43 = tpu.memref_slice %arg6[%dma_wait3A_29, %dma_wait3A_41, %dma_wait3A_42] : memref<8x128x64xf32, #tpu.memory_space<vmem>> -> memref<1x128x64xf32, #tpu.memory_space<vmem>>
    %dma_wait3A_44 = tpu.memref_squeeze %dma_wait3A_43 : memref<1x128x64xf32, #tpu.memory_space<vmem>> -> memref<128x64xf32, #tpu.memory_space<vmem>>
    tpu.wait_dma2 semaphore(%dma_wait3A_38 : memref<!tpu.dma_semaphore, #tpu.memory_space<semaphore_mem>>) src(%dma_wait3A_44 : memref<128x64xf32, #tpu.memory_space<vmem>>) dst(%dma_wait3A_40 : memref<128x64xf32, #tpu.memory_space<hbm>>)
    %add3A_45 = arith.constant 24832 : i32
    %add3A_46 = arith.addi %multiple_of3A, %add3A_45 : i32
    %dma_wait3A_47 = arith.constant 2 : i32
    %dma_wait3A_48 = arith.constant 2 : i32
    %dma_wait3A_49 = arith.constant 0 : i32
    %dma_wait3A_50 = arith.constant 0 : i32
    %dma_wait3A_51 = tpu.memref_slice %arg6[%dma_wait3A_47, %dma_wait3A_49, %dma_wait3A_50] : memref<8x128x64xf32, #tpu.memory_space<vmem>> -> memref<1x128x64xf32, #tpu.memory_space<vmem>>
    %dma_wait3A_52 = tpu.memref_squeeze %dma_wait3A_51 : memref<1x128x64xf32, #tpu.memory_space<vmem>> -> memref<128x64xf32, #tpu.memory_space<vmem>>
    %dma_wait3A_53 = arith.constant 0 : i32
    %dma_wait3A_54 = tpu.memref_slice %arg4[%add3A_46, %dma_wait3A_53] : memref<819200x128xf32, #tpu.memory_space<hbm>> -> memref<128x64xf32, #tpu.memory_space<hbm>>
    %dma_wait3A_55 = tpu.memref_slice %arg8[%dma_wait3A_48] : memref<8x!tpu.dma_semaphore, #tpu.memory_space<semaphore_mem>> -> memref<1x!tpu.dma_semaphore, #tpu.memory_space<semaphore_mem>>
    %dma_wait3A_56 = tpu.memref_squeeze %dma_wait3A_55 : memref<1x!tpu.dma_semaphore, #tpu.memory_space<semaphore_mem>> -> memref<!tpu.dma_semaphore, #tpu.memory_space<semaphore_mem>>
    %dma_wait3A_57 = arith.constant 0 : i32
    %dma_wait3A_58 = tpu.memref_slice %arg4[%add3A_46, %dma_wait3A_57] : memref<819200x128xf32, #tpu.memory_space<hbm>> -> memref<128x64xf32, #tpu.memory_space<hbm>>
    %dma_wait3A_59 = arith.constant 0 : i32
    %dma_wait3A_60 = arith.constant 0 : i32
    %dma_wait3A_61 = tpu.memref_slice %arg6[%dma_wait3A_47, %dma_wait3A_59, %dma_wait3A_60] : memref<8x128x64xf32, #tpu.memory_space<vmem>> -> memref<1x128x64xf32, #tpu.memory_space<vmem>>
    %dma_wait3A_62 = tpu.memref_squeeze %dma_wait3A_61 : memref<1x128x64xf32, #tpu.memory_space<vmem>> -> memref<128x64xf32, #tpu.memory_space<vmem>>
    tpu.wait_dma2 semaphore(%dma_wait3A_56 : memref<!tpu.dma_semaphore, #tpu.memory_space<semaphore_mem>>) src(%dma_wait3A_62 : memref<128x64xf32, #tpu.memory_space<vmem>>) dst(%dma_wait3A_58 : memref<128x64xf32, #tpu.memory_space<hbm>>)
    %add3A_63 = arith.constant 24960 : i32
    %add3A_64 = arith.addi %multiple_of3A, %add3A_63 : i32
    %dma_wait3A_65 = arith.constant 3 : i32
    %dma_wait3A_66 = arith.constant 3 : i32
    %dma_wait3A_67 = arith.constant 0 : i32
    %dma_wait3A_68 = arith.constant 0 : i32
    %dma_wait3A_69 = tpu.memref_slice %arg6[%dma_wait3A_65, %dma_wait3A_67, %dma_wait3A_68] : memref<8x128x64xf32, #tpu.memory_space<vmem>> -> memref<1x128x64xf32, #tpu.memory_space<vmem>>
    %dma_wait3A_70 = tpu.memref_squeeze %dma_wait3A_69 : memref<1x128x64xf32, #tpu.memory_space<vmem>> -> memref<128x64xf32, #tpu.memory_space<vmem>>
    %dma_wait3A_71 = arith.constant 0 : i32
    %dma_wait3A_72 = tpu.memref_slice %arg4[%add3A_64, %dma_wait3A_71] : memref<819200x128xf32, #tpu.memory_space<hbm>> -> memref<128x64xf32, #tpu.memory_space<hbm>>
    %dma_wait3A_73 = tpu.memref_slice %arg8[%dma_wait3A_66] : memref<8x!tpu.dma_semaphore, #tpu.memory_space<semaphore_mem>> -> memref<1x!tpu.dma_semaphore, #tpu.memory_space<semaphore_mem>>
    %dma_wait3A_74 = tpu.memref_squeeze %dma_wait3A_73 : memref<1x!tpu.dma_semaphore, #tpu.memory_space<semaphore_mem>> -> memref<!tpu.dma_semaphore, #tpu.memory_space<semaphore_mem>>
    %dma_wait3A_75 = arith.constant 0 : i32
    %dma_wait3A_76 = tpu.memref_slice %arg4[%add3A_64, %dma_wait3A_75] : memref<819200x128xf32, #tpu.memory_space<hbm>> -> memref<128x64xf32, #tpu.memory_space<hbm>>
    %dma_wait3A_77 = arith.constant 0 : i32
    %dma_wait3A_78 = arith.constant 0 : i32
    %dma_wait3A_79 = tpu.memref_slice %arg6[%dma_wait3A_65, %dma_wait3A_77, %dma_wait3A_78] : memref<8x128x64xf32, #tpu.memory_space<vmem>> -> memref<1x128x64xf32, #tpu.memory_space<vmem>>
    %dma_wait3A_80 = tpu.memref_squeeze %dma_wait3A_79 : memref<1x128x64xf32, #tpu.memory_space<vmem>> -> memref<128x64xf32, #tpu.memory_space<vmem>>
    tpu.wait_dma2 semaphore(%dma_wait3A_74 : memref<!tpu.dma_semaphore, #tpu.memory_space<semaphore_mem>>) src(%dma_wait3A_80 : memref<128x64xf32, #tpu.memory_space<vmem>>) dst(%dma_wait3A_76 : memref<128x64xf32, #tpu.memory_space<hbm>>)
    %add3A_81 = arith.constant 25088 : i32
    %add3A_82 = arith.addi %multiple_of3A, %add3A_81 : i32
    %dma_wait3A_83 = arith.constant 4 : i32
    %dma_wait3A_84 = arith.constant 4 : i32
    %dma_wait3A_85 = arith.constant 0 : i32
    %dma_wait3A_86 = arith.constant 0 : i32
    %dma_wait3A_87 = tpu.memref_slice %arg6[%dma_wait3A_83, %dma_wait3A_85, %dma_wait3A_86] : memref<8x128x64xf32, #tpu.memory_space<vmem>> -> memref<1x128x64xf32, #tpu.memory_space<vmem>>
    %dma_wait3A_88 = tpu.memref_squeeze %dma_wait3A_87 : memref<1x128x64xf32, #tpu.memory_space<vmem>> -> memref<128x64xf32, #tpu.memory_space<vmem>>
    %dma_wait3A_89 = arith.constant 0 : i32
    %dma_wait3A_90 = tpu.memref_slice %arg4[%add3A_82, %dma_wait3A_89] : memref<819200x128xf32, #tpu.memory_space<hbm>> -> memref<128x64xf32, #tpu.memory_space<hbm>>
    %dma_wait3A_91 = tpu.memref_slice %arg8[%dma_wait3A_84] : memref<8x!tpu.dma_semaphore, #tpu.memory_space<semaphore_mem>> -> memref<1x!tpu.dma_semaphore, #tpu.memory_space<semaphore_mem>>
    %dma_wait3A_92 = tpu.memref_squeeze %dma_wait3A_91 : memref<1x!tpu.dma_semaphore, #tpu.memory_space<semaphore_mem>> -> memref<!tpu.dma_semaphore, #tpu.memory_space<semaphore_mem>>
    %dma_wait3A_93 = arith.constant 0 : i32
    %dma_wait3A_94 = tpu.memref_slice %arg4[%add3A_82, %dma_wait3A_93] : memref<819200x128xf32, #tpu.memory_space<hbm>> -> memref<128x64xf32, #tpu.memory_space<hbm>>
    %dma_wait3A_95 = arith.constant 0 : i32
    %dma_wait3A_96 = arith.constant 0 : i32
    %dma_wait3A_97 = tpu.memref_slice %arg6[%dma_wait3A_83, %dma_wait3A_95, %dma_wait3A_96] : memref<8x128x64xf32, #tpu.memory_space<vmem>> -> memref<1x128x64xf32, #tpu.memory_space<vmem>>
    %dma_wait3A_98 = tpu.memref_squeeze %dma_wait3A_97 : memref<1x128x64xf32, #tpu.memory_space<vmem>> -> memref<128x64xf32, #tpu.memory_space<vmem>>
    tpu.wait_dma2 semaphore(%dma_wait3A_92 : memref<!tpu.dma_semaphore, #tpu.memory_space<semaphore_mem>>) src(%dma_wait3A_98 : memref<128x64xf32, #tpu.memory_space<vmem>>) dst(%dma_wait3A_94 : memref<128x64xf32, #tpu.memory_space<hbm>>)
    %add3A_99 = arith.constant 25216 : i32
    %add3A_100 = arith.addi %multiple_of3A, %add3A_99 : i32
    %dma_wait3A_101 = arith.constant 5 : i32
    %dma_wait3A_102 = arith.constant 5 : i32
    %dma_wait3A_103 = arith.constant 0 : i32
    %dma_wait3A_104 = arith.constant 0 : i32
    %dma_wait3A_105 = tpu.memref_slice %arg6[%dma_wait3A_101, %dma_wait3A_103, %dma_wait3A_104] : memref<8x128x64xf32, #tpu.memory_space<vmem>> -> memref<1x128x64xf32, #tpu.memory_space<vmem>>
    %dma_wait3A_106 = tpu.memref_squeeze %dma_wait3A_105 : memref<1x128x64xf32, #tpu.memory_space<vmem>> -> memref<128x64xf32, #tpu.memory_space<vmem>>
    %dma_wait3A_107 = arith.constant 0 : i32
    %dma_wait3A_108 = tpu.memref_slice %arg4[%add3A_100, %dma_wait3A_107] : memref<819200x128xf32, #tpu.memory_space<hbm>> -> memref<128x64xf32, #tpu.memory_space<hbm>>
    %dma_wait3A_109 = tpu.memref_slice %arg8[%dma_wait3A_102] : memref<8x!tpu.dma_semaphore, #tpu.memory_space<semaphore_mem>> -> memref<1x!tpu.dma_semaphore, #tpu.memory_space<semaphore_mem>>
    %dma_wait3A_110 = tpu.memref_squeeze %dma_wait3A_109 : memref<1x!tpu.dma_semaphore, #tpu.memory_space<semaphore_mem>> -> memref<!tpu.dma_semaphore, #tpu.memory_space<semaphore_mem>>
    %dma_wait3A_111 = arith.constant 0 : i32
    %dma_wait3A_112 = tpu.memref_slice %arg4[%add3A_100, %dma_wait3A_111] : memref<819200x128xf32, #tpu.memory_space<hbm>> -> memref<128x64xf32, #tpu.memory_space<hbm>>
    %dma_wait3A_113 = arith.constant 0 : i32
    %dma_wait3A_114 = arith.constant 0 : i32
    %dma_wait3A_115 = tpu.memref_slice %arg6[%dma_wait3A_101, %dma_wait3A_113, %dma_wait3A_114] : memref<8x128x64xf32, #tpu.memory_space<vmem>> -> memref<1x128x64xf32, #tpu.memory_space<vmem>>
    %dma_wait3A_116 = tpu.memref_squeeze %dma_wait3A_115 : memref<1x128x64xf32, #tpu.memory_space<vmem>> -> memref<128x64xf32, #tpu.memory_space<vmem>>
    tpu.wait_dma2 semaphore(%dma_wait3A_110 : memref<!tpu.dma_semaphore, #tpu.memory_space<semaphore_mem>>) src(%dma_wait3A_116 : memref<128x64xf32, #tpu.memory_space<vmem>>) dst(%dma_wait3A_112 : memref<128x64xf32, #tpu.memory_space<hbm>>)
    %add3A_117 = arith.constant 25344 : i32
    %add3A_118 = arith.addi %multiple_of3A, %add3A_117 : i32
    %dma_wait3A_119 = arith.constant 6 : i32
    %dma_wait3A_120 = arith.constant 6 : i32
    %dma_wait3A_121 = arith.constant 0 : i32
    %dma_wait3A_122 = arith.constant 0 : i32
    %dma_wait3A_123 = tpu.memref_slice %arg6[%dma_wait3A_119, %dma_wait3A_121, %dma_wait3A_122] : memref<8x128x64xf32, #tpu.memory_space<vmem>> -> memref<1x128x64xf32, #tpu.memory_space<vmem>>
    %dma_wait3A_124 = tpu.memref_squeeze %dma_wait3A_123 : memref<1x128x64xf32, #tpu.memory_space<vmem>> -> memref<128x64xf32, #tpu.memory_space<vmem>>
    %dma_wait3A_125 = arith.constant 0 : i32
    %dma_wait3A_126 = tpu.memref_slice %arg4[%add3A_118, %dma_wait3A_125] : memref<819200x128xf32, #tpu.memory_space<hbm>> -> memref<128x64xf32, #tpu.memory_space<hbm>>
    %dma_wait3A_127 = tpu.memref_slice %arg8[%dma_wait3A_120] : memref<8x!tpu.dma_semaphore, #tpu.memory_space<semaphore_mem>> -> memref<1x!tpu.dma_semaphore, #tpu.memory_space<semaphore_mem>>
    %dma_wait3A_128 = tpu.memref_squeeze %dma_wait3A_127 : memref<1x!tpu.dma_semaphore, #tpu.memory_space<semaphore_mem>> -> memref<!tpu.dma_semaphore, #tpu.memory_space<semaphore_mem>>
    %dma_wait3A_129 = arith.constant 0 : i32
    %dma_wait3A_130 = tpu.memref_slice %arg4[%add3A_118, %dma_wait3A_129] : memref<819200x128xf32, #tpu.memory_space<hbm>> -> memref<128x64xf32, #tpu.memory_space<hbm>>
    %dma_wait3A_131 = arith.constant 0 : i32
    %dma_wait3A_132 = arith.constant 0 : i32
    %dma_wait3A_133 = tpu.memref_slice %arg6[%dma_wait3A_119, %dma_wait3A_131, %dma_wait3A_132] : memref<8x128x64xf32, #tpu.memory_space<vmem>> -> memref<1x128x64xf32, #tpu.memory_space<vmem>>
    %dma_wait3A_134 = tpu.memref_squeeze %dma_wait3A_133 : memref<1x128x64xf32, #tpu.memory_space<vmem>> -> memref<128x64xf32, #tpu.memory_space<vmem>>
    tpu.wait_dma2 semaphore(%dma_wait3A_128 : memref<!tpu.dma_semaphore, #tpu.memory_space<semaphore_mem>>) src(%dma_wait3A_134 : memref<128x64xf32, #tpu.memory_space<vmem>>) dst(%dma_wait3A_130 : memref<128x64xf32, #tpu.memory_space<hbm>>)
    %add3A_135 = arith.constant 25472 : i32
    %add3A_136 = arith.addi %multiple_of3A, %add3A_135 : i32
    %dma_wait3A_137 = arith.constant 7 : i32
    %dma_wait3A_138 = arith.constant 7 : i32
    %dma_wait3A_139 = arith.constant 0 : i32
    %dma_wait3A_140 = arith.constant 0 : i32
    %dma_wait3A_141 = tpu.memref_slice %arg6[%dma_wait3A_137, %dma_wait3A_139, %dma_wait3A_140] : memref<8x128x64xf32, #tpu.memory_space<vmem>> -> memref<1x128x64xf32, #tpu.memory_space<vmem>>
    %dma_wait3A_142 = tpu.memref_squeeze %dma_wait3A_141 : memref<1x128x64xf32, #tpu.memory_space<vmem>> -> memref<128x64xf32, #tpu.memory_space<vmem>>
    %dma_wait3A_143 = arith.constant 0 : i32
    %dma_wait3A_144 = tpu.memref_slice %arg4[%add3A_136, %dma_wait3A_143] : memref<819200x128xf32, #tpu.memory_space<hbm>> -> memref<128x64xf32, #tpu.memory_space<hbm>>
    %dma_wait3A_145 = tpu.memref_slice %arg8[%dma_wait3A_138] : memref<8x!tpu.dma_semaphore, #tpu.memory_space<semaphore_mem>> -> memref<1x!tpu.dma_semaphore, #tpu.memory_space<semaphore_mem>>
    %dma_wait3A_146 = tpu.memref_squeeze %dma_wait3A_145 : memref<1x!tpu.dma_semaphore, #tpu.memory_space<semaphore_mem>> -> memref<!tpu.dma_semaphore, #tpu.memory_space<semaphore_mem>>
    %dma_wait3A_147 = arith.constant 0 : i32
    %dma_wait3A_148 = tpu.memref_slice %arg4[%add3A_136, %dma_wait3A_147] : memref<819200x128xf32, #tpu.memory_space<hbm>> -> memref<128x64xf32, #tpu.memory_space<hbm>>
    %dma_wait3A_149 = arith.constant 0 : i32
    %dma_wait3A_150 = arith.constant 0 : i32
    %dma_wait3A_151 = tpu.memref_slice %arg6[%dma_wait3A_137, %dma_wait3A_149, %dma_wait3A_150] : memref<8x128x64xf32, #tpu.memory_space<vmem>> -> memref<1x128x64xf32, #tpu.memory_space<vmem>>
    %dma_wait3A_152 = tpu.memref_squeeze %dma_wait3A_151 : memref<1x128x64xf32, #tpu.memory_space<vmem>> -> memref<128x64xf32, #tpu.memory_space<vmem>>
    tpu.wait_dma2 semaphore(%dma_wait3A_146 : memref<!tpu.dma_semaphore, #tpu.memory_space<semaphore_mem>>) src(%dma_wait3A_152 : memref<128x64xf32, #tpu.memory_space<vmem>>) dst(%dma_wait3A_148 : memref<128x64xf32, #tpu.memory_space<hbm>>)
    return
  }
}

</mosaic_0001>

<sc_bundles>
// kernel: kernel.3.cloned.1.call-start
scs
__scs_entry_jumppad:
0x0: {  	(pc) =	sbr.rel $0x88, $3  }
0x1: {  	(tag) =	ssettag $0x0;
	lr =	simm.s32 $0x1  }
0x2: {  	[smem:$0x3F9F] =	sst lr;
	_ =	strace $0xD0000000  }
0x3: {  	_ = 	snop  }
0x4: {  	_ = 	snop  }
0x5: {  	_ = 	snop  }
0x6: {  	_ = 	snop  }
0x7: {  	_ = 	snop  }
__scs_overlays_trampoline_lowered:
0x8: {  	[smem:$0x3FAE] =	sst s0  }
0x9: {  	[smem:$0x3FAF] =	sst s1  }
0xa: {  	[smem:$0x3FB0] =	sst s2  }
0xb: {  	[smem:$0x3FB1] =	sst s3  }
0xc: {  	[smem:$0x3FB2] =	sst s4  }
0xd: {  	[smem:$0x3FB3] =	sst s5  }
0xe: {  	[smem:$0x3FB4] =	sst s6  }
0xf: {  	[smem:$0x3FB5] =	sst s7  }
0x10: {  	[smem:$0x3FB6] =	sst s8  }
0x11: {  	[smem:$0x3FB7] =	sst s9;
	s0 =	simm.s32 @!p0 $0x0  }
0x12: {  	s1 =	sld [smem:$0x3F9D];
	s0 =	simm.s32 @p0 $0x1  }
0x13: {  	[smem:$0x3FB8] =	sst s0;
	s0 =	simm.s32 @!p1 $0x0  }
0x14: {  	s2 =	sld [smem:$0x3F9C];
	s0 =	simm.s32 @p1 $0x1  }
0x15: {  	[smem:$0x3FB9] =	sst s0;
	s0 =	simm.s32 @!p2 $0x0  }
0x16: {  	s3 =	sld [smem:$0x3FDB];
	s0 =	simm.s32 @p2 $0x1  }
0x17: {  	s4 =	simm.s32 $0x1BF5;
	[smem:$0x3FBB] =	sst s0  }
0x18: {  	s0 =	sld [smem:$0x3F9E];
	_ =	swait.ge [sflag:s4], $0x0  }
0x19: {  	s7 =	sld [smem:$0x3F9F]  }
0x1a: {  	s8 =	sadd.s32 $0xFFFFE003, lr  }
0x1b: {  	s9 =	sadd.s32 $0xFFFFFEF7, lr;
	s5 =	simm.s32 $0xFFFFFFFF;
	p2 =	slt.u32 s8, $0xFFFFF086  }
0x1c: {  	p1 =	slt.u32 s9, $0xF7A;
	s5 =	simm.s32 @!p2 $0x0  }
0x1d: {  	s5 =	simm.s32 @p1 $0x1;
	p0 =	seq.s32 s7, s2  }
0x1e: {  	s7 =	smul.u32 @!p0 $0xF7A, s2;
	p2 =	seq.s32 @!p0 s5, $0x0  }
0x1f: {  	s9 =	smul.u32 $0xF7A, s1;
	s8 =	simm.s32 @!p0 $0x1BF5;
	p2 =	por !p2, p0  }
0x20: {  	[sflag:s8] =	ssyncset.s32 @!p0 $0xFFFFF086;
	s6 =	sadd.s32 @!p0 s3, s7;
	s7 =	simm.s32 @!p0 $0x108  }
0x21: {  	s3 =	sadd.s32 s3, s9;
	s6 =	sadd.s32 @!p0 $0x88, s6;
	s7 =	simm.s32 @p2 $0x1082  }
0x22: {  	[simem:s7], [sflag:s8] =	dma.local @!p0 [hbm:s6], $0xF7A  }
0x23: {  	s9 =	sor.u32 $0xD0000000, s2;
	s6 =	simm.s32 $0x108;
	_ =	swait.ge @!p0 [sflag:s8], $0x0  }
0x24: {  	s3 =	sadd.s32 $0x88, s3;
	s6 =	simm.s32 @!p1 $0x1082;
	[sflag:s4] =	ssyncset.s32 $0xFFFFF086  }
0x25: {  	[simem:s6], [sflag:s4] =	dma.local [hbm:s3], $0xF7A  }
0x26: {  	[smem:$0x3F9F] =	sst s1;
	(tag) =	ssettag s2;
	_ =	strace s9  }
0x27: {  	s1 =	sld [smem:$0x3FAF]  }
0x28: {  	s2 =	sld [smem:$0x3FB0]  }
0x29: {  	s4 =	sld [smem:$0x3FB2]  }
0x2a: {  	p0 =	seq.s32 s5, $0x0;
	s5 =	sld [smem:$0x3FB3]  }
0x2b: {  	s6 =	sld [smem:$0x3FB4]  }
0x2c: {  	s7 =	sld [smem:$0x3FB5]  }
0x2d: {  	s3 =	simm.s32 $0x108;
	s8 =	sld [smem:$0x3FB6]  }
0x2e: {  	s3 =	simm.s32 @!p0 $0x1082;
	s9 =	sld [smem:$0x3FB7]  }
0x2f: {  	lr =	sadd.s32 s0, s3;
	s0 =	sld [smem:$0x3FAE]  }
0x30: {  	s3 =	sld [smem:$0x3FB1]  }
0x31: {  	[smem:$0x3FBA] =	sst s10  }
0x32: {  	s10 =	sld [smem:$0x3FB8];
	_ =	sdelay $0x3  }
0x33: {  	p0 =	seq.s32 s10, $0x1;
	s10 =	sld [smem:$0x3FBA];
	_ =	sdelay $0x3  }
0x34: {  	[smem:$0x3FBA] =	sst s10  }
0x35: {  	s10 =	sld [smem:$0x3FB9];
	_ =	sdelay $0x3  }
0x36: {  	p1 =	seq.s32 s10, $0x1;
	s10 =	sld [smem:$0x3FBA];
	_ =	sdelay $0x3  }
0x37: {  	[smem:$0x3FBA] =	sst s10  }
0x38: {  	s10 =	sld [smem:$0x3FBB]  }
0x39: {  	_ = 	snop;
	(pc) =	sbr.ind lr, $3  }
0x3a: {  	_ = 	snop  }
0x3b: {  	_ = 	snop  }
0x3c: {  	p2 =	seq.s32 s10, $0x1;
	s10 =	sld [smem:$0x3FBA]  }
0x3d: {  	_ =	shalt  }
0x3e: {  	_ =	shalt  }
0x3f: {  	_ =	shalt  }
0x40: {  	_ =	shalt  }
0x41: {  	_ =	shalt  }
0x42: {  	_ =	shalt  }
0x43: {  	_ =	shalt  }
0x44: {  	_ =	shalt  }
0x45: {  	_ =	shalt  }
0x46: {  	_ =	shalt  }
0x47: {  	_ =	shalt  }
0x48: {  	_ =	shalt  }
0x49: {  	_ =	shalt  }
0x4a: {  	_ =	shalt  }
0x4b: {  	_ =	shalt  }
0x4c: {  	_ =	shalt  }
0x4d: {  	_ =	shalt  }
0x4e: {  	_ =	shalt  }
0x4f: {  	_ =	shalt  }
0x50: {  	_ =	shalt  }
0x51: {  	_ =	shalt  }
0x52: {  	_ =	shalt  }
0x53: {  	_ =	shalt  }
0x54: {  	_ =	shalt  }
0x55: {  	_ =	shalt  }
0x56: {  	_ =	shalt  }
0x57: {  	_ =	shalt  }
0x58: {  	_ =	shalt  }
0x59: {  	_ =	shalt  }
0x5a: {  	_ =	shalt  }
0x5b: {  	_ =	shalt  }
0x5c: {  	_ =	shalt  }
0x5d: {  	_ =	shalt  }
0x5e: {  	_ =	shalt  }
0x5f: {  	_ =	shalt  }
0x60: {  	_ =	shalt  }
0x61: {  	_ =	shalt  }
0x62: {  	_ =	shalt  }
0x63: {  	_ =	shalt  }
0x64: {  	_ =	shalt  }
0x65: {  	_ =	shalt  }
0x66: {  	_ =	shalt  }
0x67: {  	_ =	shalt  }
0x68: {  	_ =	shalt  }
0x69: {  	_ =	shalt  }
0x6a: {  	_ =	shalt  }
0x6b: {  	_ =	shalt  }
0x6c: {  	_ =	shalt  }
0x6d: {  	_ =	shalt  }
0x6e: {  	_ =	shalt  }
0x6f: {  	_ =	shalt  }
0x70: {  	_ =	shalt  }
0x71: {  	_ =	shalt  }
0x72: {  	_ =	shalt  }
0x73: {  	_ =	shalt  }
0x74: {  	_ =	shalt  }
0x75: {  	_ =	shalt  }
0x76: {  	_ =	shalt  }
0x77: {  	_ =	shalt  }
0x78: {  	_ =	shalt  }
0x79: {  	_ =	shalt  }
0x7a: {  	_ =	shalt  }
0x7b: {  	_ =	shalt  }
0x7c: {  	_ =	shalt  }
0x7d: {  	_ =	shalt  }
0x7e: {  	_ =	shalt  }
0x7f: {  	_ =	shalt  }
0x80: {  	_ =	shalt  }
0x81: {  	_ =	shalt  }
0x82: {  	_ =	shalt  }
0x83: {  	_ =	shalt  }
0x84: {  	_ =	shalt  }
0x85: {  	_ =	shalt  }
0x86: {  	_ =	shalt  }
0x87: {  	_ =	shalt  }
.Lfunc_end0:
.L_simem_size_0:
called_computation.2_lowered:
.L_overlay_start_0:
0x88: {  	s2 =	sld [smem:$0x3FD9]  }
0x89: {  	s3 =	sld [smem:$0x3FFE];
	_ =	sdelay $0x1  }
0x8a: {  	s1 =	srdreg.scid  }
0x8b: {  	s0 =	sand.u32 $0x1, s1  }
0x8c: {  	s17 =	sshll.u32 s0, $0xA;
	s2 =	sadd.s32 s3, s2  }
0x8d: {  	s2 =	sadd.s32 s2, s17  }
0x8e: {  	[smem:$0x3FC6] =	sst s2  }
0x8f: {  	_ = 	snop  }
0x90: {  	s2 =	sld [smem:$0x3FD0];
	(tm) =	ssettm $0x1  }
0x91: {  	s18 =	sld [smem:$0x3FFB];
	_ =	sdelay $0x3  }
0x92: {  	_ =	strace s18  }
0x93: {  	s3 =	sld [smem:$0x3FFC];
	_ =	sdelay $0x3  }
0x94: {  	_ =	strace s3  }
0x95: {  	s3 =	sld [smem:$0x3FFD];
	_ =	sdelay $0x3  }
0x96: {  	_ =	strace s3  }
0x97: {  	_ =	strace $0x8FFFFFFF  }
0x98: {  	s19 =	sld [smem:$0x3FDB];
	_ =	sdelay $0x1  }
0x99: {  	s4 =	simm.s32 $_scs_section_size  }
0x9a: {  	s5 =	simm.s32 $_size__tile_overlayer_lowered;
	s6 =	simm.s32 $_tile_overlayer_lowered  }
0x9b: {  	s22 =	simm.s32 $0x1BFF;
	s21 =	sshll.u32 s6, $0x1;
	s3 =	sadd.s32 s4, s19  }
0x9c: {  	s7 =	simm.s32 $0x0;
	s20 =	sshll.u32 s5, $0x1;
	s5 =	sadd.s32 s21, s3  }
0x9d: {  	[timem:s7], [sflag:s22] =	dma.local [hbm:s5], s20  }
0x9e: {  	_ =	swait.ge [sflag:s22], s20  }
0x9f: {  	s4 =	ssub.s32 $0x0, s20;
	[sflag:s22] =	ssyncset.done $0x0  }
0xa0: {  	[sflag:s22] =	ssyncadd.s32 s4;
	_ =	sdelay $0x1  }
0xa1: {  	s23 =	simm.s32 $0x1B8B  }
0xa2: {  	_ =	swait.ge [sflag:s23], $0x1  }
0xa3: {  	[sflag:s23] =	ssyncset.done $0x0  }
0xa4: {  	s25 =	simm.s32 $0x1B8E;
	s24 =	sld [smem:$0x3FFE];
	[sflag:s23] =	ssyncadd.s32 $0xFFFFFFFF  }
0xa5: {  	s26 =	simm.s32 $execute0_lowered;
	[smem:$0x3FD2] =	sst s25  }
0xa6: {  	s5 =	sshll.u32 s26, $0x1;
	_ =	strace $0x80000049;
	[dreg:$0x1] =	wrdreg $0xFFFFFFFF  }
0xa7: {  	s28 =	simm.s32 $_size_execute0_lowered;
	s3 =	sadd.s32 s3, s5;
	[dreg:$0x0] =	wrdreg $0x0  }
0xa8: {  	s5 =	sshll.u32 s28, $0x1;
	[dreg:$0x2] =	wrdreg s3  }
0xa9: {  	[dreg:$0x3] =	wrdreg s5  }
0xaa: {  	[dreg:$0x4] =	wrdreg $0xC0  }
0xab: {  	_ =	task [dreg:s7], $0x5FFFF  }
0xac: {  	[dreg:$0x1] =	wrdreg $0xFFFFFFFF  }
0xad: {  	[dreg:$0x0] =	wrdreg $0x60  }
0xae: {  	[dreg:$0x2] =	wrdreg s24  }
0xaf: {  	[dreg:$0x3] =	wrdreg s2  }
0xb0: {  	[dreg:$0x4] =	wrdreg $0x9  }
0xb1: {  	_ =	task.clear_ibuf [dreg:s7], $0x5FFFF;
	_ =	strace $0x90000049  }
0xb2: {  	s29 =	simm.s32 $0x9;
	_ =	strace $0x8000004B  }
0xb3: {  	_ =	swait.ge [sflag:s29], $0x1  }
0xb4: {  	[sflag:s29] =	ssyncadd.s32 $0xFFFFFFFF  }
0xb5: {  	_ =	strace $0x9000004B  }
0xb6: {  	_ =	sfence  }
0xb7: {  	s30 =	sld [smem:$0x0];
	_ =	sdelay $0x2  }
0xb8: {  	s31 =	sshll.u32 s1, $0xD;
	s1 =	sshrl.u32 s1, $0x2  }
0xb9: {  	s3 =	sand.u32 $0x4000, s31;
	s1 =	sadd.s32 s1, s30  }
0xba: {  	s0 =	sor.u32 s3, s0;
	s1 =	sshll.u32 s1, $0x11  }
0xbb: {  	s0 =	sor.u32 s1, s0  }
0xbc: {  	s0 =	sadd.s32 $0x8F2B, s0  }
0xbd: {  	[sflag:s0] =	ssyncadd.remote.s32 $0x1  }
0xbe: {  	_ =	sfence.sel $0xFFFF  }
0xbf: {  	[dreg:$0x0] =	wrdreg $0xFFFFFFFF;
	(pc) =	sbr.abs _section_cstart, $3  }
0xc0: {  	[dreg:$0x1] =	wrdreg $0xFFFFFFFF  }
0xc1: {  	_ =	task.clear_ibuf [dreg:s7], $0x2FFFF;
	_ =	strace $0x9FFFFFFF  }
0xc2: {  	(tm) =	ssettm $0x7FFFFFFF  }
0xc3: {  	_ =	shalt  }
tec
execute0_lowered:
.L_overlay_start_1:
0x0: {  	(tag) =	ssettag $0x1  }
0x1: {  	s0 =	rddreg [dreg:$0x0];
	s1 =	srdreg.scid  }
0x2: {  	s3 =	stileid.u32;
	s2 =	rddreg [dreg:$0x1];
	s4 =	simm.s32 $0x0  }
0x3: {  	s9 =	simm.s32 $0x80;
	s10 =	simm.s32 $0x14400;
	s11 =	simm.s32 $0x1  }
0x4: {  	s12 =	simm.s32 $0x40;
	s14 =	simm.s32 $0x2;
	s16 =	simm.s32 $0x3  }
0x5: {  	s17 =	simm.s32 $0xA400;
	s18 =	simm.s32 $0x4;
	s19 =	simm.s32 $0xC400  }
0x6: {  	s20 =	simm.s32 $0x5;
	s21 =	simm.s32 $0xE400;
	s22 =	simm.s32 $0x6  }
0x7: {  	s23 =	simm.s32 $0x10400;
	s1 =	sand.u32 $0x1, s1;
	s3 =	sshll.u32 s3, $0x1  }
0x8: {  	s24 =	simm.s32 $0x7;
	s3 =	sor.u32 s1, s3;
	s1 =	ssub.s32 $0x2, s1  }
0x9: {  	s25 =	simm.s32 $0x12400;
	s3 =	smul.u32 $0x6400, s3;
	s6 =	sshrl.u32 s1, $0x1  }
0xa: {  	[smem:$0x7FF] =	sst s4;
	s4 =	sadd.s32 $0xF43200, s0;
	s30 =	ssub.s32 s1, s6  }
0xb: {  	s5 =	sadd.s32 $0xE00, s0;
	s31 =	sshrl.u32 s3, $0x3;
	s0 =	smax.u32 s30, $0x1  }
0xc: {  	_ =	strace $0x8000004A;
	s1 =	sadd.s32 s2, s31;
	[dreg:$0x4] =	wrdreg s0  }
0xd: {  	s26 =	simm.s32 $0x8;
	s2 =	simm.s32 $0x0;
	[dreg:$0x3] =	wrdreg s1  }
.LBB2_1:
0xe: {  	[dreg:$0x5] =	wrdreg s2  }
0xf: {  	s0 =	simm.s32 $0x0;
	s1 =	rddreg [dreg:$0x3];
	s31 =	simm.s32 $0x11  }
0x10: {  	[tilespmem:s0], [sflag:$0x11] =	stream.linear.gather [hbm4b:s1+s0], $0x6400, $0x38;
	[tilespmem:$0x16400] =	vst v63  }
0x11: {  	_ =	swait.ge [sflag:s31], $0x6400  }
0x12: {  	[sflag:s31] =	ssyncset.done $0x0  }
0x13: {  	s8 =	simm.s32 $0x0;
	[sflag:s31] =	ssyncadd.s32 $0xFFFF9C00  }
.LBB2_2:
0x14: {  	p0 =	sne.s32 s8, $0x0  }
0x15: {  	s0 =	simm.s32 @p0 $0x9  }
0x16: {  	_ =	swait.ge @p0 [sflag:s0], $0x2000  }
0x17: {  	s6 =	sshll.u32 s8, $0xA;
	[sflag:s0] =	ssyncset.done @p0 $0x0  }
0x18: {  	s7 =	simm.s32 @p0 $0x80;
	[sflag:s0] =	ssyncadd.s32 @p0 $0xFFFFE000;
	s0 =	simm.s32 @p0 $0x6400  }
0x19: {  	[tilespmem:s0], [sflag:$0x1] =	stream.indirect.gather @p0 [hbm4b:s4+s7], $0x40, s6, s7, $0xb8;
	[tilespmem:$0x16400] =	vst v63  }
0x1a: {  	s0 =	simm.s32 @p0 $0xA  }
0x1b: {  	_ =	swait.ge @p0 [sflag:s0], $0x2000  }
0x1c: {  	s2 =	sor.u32 @p0 $0x80, s6;
	[sflag:s0] =	ssyncset.done @p0 $0x0  }
0x1d: {  	s1 =	simm.s32 @p0 $0xB;
	[sflag:s0] =	ssyncadd.s32 @p0 $0xFFFFE000;
	s0 =	simm.s32 @p0 $0x8400  }
0x1e: {  	[tilespmem:s0], [sflag:$0x2] =	stream.indirect.gather @p0 [hbm4b:s4+s7], $0x40, s2, s7, $0xb8;
	[tilespmem:$0x16400] =	vst v63  }
0x1f: {  	_ =	swait.ge @p0 [sflag:s1], $0x2000  }
0x20: {  	s13 =	simm.s32 @p0 $0xC;
	[sflag:s1] =	ssyncset.done @p0 $0x0  }
0x21: {  	s0 =	sor.u32 @p0 $0x100, s6;
	[sflag:s1] =	ssyncadd.s32 @p0 $0xFFFFE000;
	s1 =	simm.s32 @p0 $0xA400  }
0x22: {  	[tilespmem:s1], [sflag:$0x3] =	stream.indirect.gather @p0 [hbm4b:s4+s7], $0x40, s0, s7, $0xb8;
	[tilespmem:$0x16400] =	vst v63  }
0x23: {  	_ =	swait.ge @p0 [sflag:s13], $0x2000  }
0x24: {  	[sflag:s13] =	ssyncset.done @p0 $0x0  }
0x25: {  	s1 =	sor.u32 @p0 $0x180, s6;
	[sflag:s13] =	ssyncadd.s32 @p0 $0xFFFFE000;
	s13 =	simm.s32 @p0 $0xC400  }
0x26: {  	[tilespmem:s13], [sflag:$0x4] =	stream.indirect.gather @p0 [hbm4b:s4+s7], $0x40, s1, s7, $0xb8;
	[tilespmem:$0x16400] =	vst v63  }
0x27: {  	s13 =	simm.s32 @p0 $0xD  }
0x28: {  	_ =	swait.ge @p0 [sflag:s13], $0x2000  }
0x29: {  	[sflag:s13] =	ssyncset.done @p0 $0x0  }
0x2a: {  	s31 =	sor.u32 @p0 $0x200, s6;
	[sflag:s13] =	ssyncadd.s32 @p0 $0xFFFFE000;
	s13 =	simm.s32 @p0 $0xE400  }
0x2b: {  	[tilespmem:s13], [sflag:$0x5] =	stream.indirect.gather @p0 [hbm4b:s4+s7], $0x40, s31, s7, $0xb8;
	[tilespmem:$0x16400] =	vst v63  }
0x2c: {  	s13 =	simm.s32 @p0 $0xE  }
0x2d: {  	_ =	swait.ge @p0 [sflag:s13], $0x2000  }
0x2e: {  	[sflag:s13] =	ssyncset.done @p0 $0x0  }
0x2f: {  	s30 =	sor.u32 @p0 $0x280, s6;
	[sflag:s13] =	ssyncadd.s32 @p0 $0xFFFFE000;
	s13 =	simm.s32 @p0 $0x10400  }
0x30: {  	[tilespmem:s13], [sflag:$0x6] =	stream.indirect.gather @p0 [hbm4b:s4+s7], $0x40, s30, s7, $0xb8;
	[tilespmem:$0x16400] =	vst v63  }
0x31: {  	s13 =	simm.s32 @p0 $0xF  }
0x32: {  	_ =	swait.ge @p0 [sflag:s13], $0x2000  }
0x33: {  	[sflag:s13] =	ssyncset.done @p0 $0x0  }
0x34: {  	s29 =	sor.u32 @p0 $0x300, s6;
	[sflag:s13] =	ssyncadd.s32 @p0 $0xFFFFE000;
	s13 =	simm.s32 @p0 $0x12400  }
0x35: {  	[tilespmem:s13], [sflag:$0x7] =	stream.indirect.gather @p0 [hbm4b:s4+s7], $0x40, s29, s7, $0xb8;
	[tilespmem:$0x16400] =	vst v63  }
0x36: {  	s7 =	simm.s32 @p0 $0x10  }
0x37: {  	_ =	swait.ge @p0 [sflag:s7], $0x2000  }
0x38: {  	[sflag:s7] =	ssyncset.done @p0 $0x0  }
0x39: {  	s13 =	simm.s32 @!p0 $0x6400;
	[sflag:s7] =	ssyncadd.s32 @p0 $0xFFFFE000;
	s7 =	simm.s32 @!p0 $0x80  }
0x3a: {  	[tilespmem:s13], [sflag:$0x1] =	stream.indirect.gather @!p0 [hbm4b:s4+s7], $0x40, s6, s7, $0xb8;
	[tilespmem:$0x16400] =	vst v63  }
0x3b: {  	s13 =	simm.s32 @!p0 $0x8400  }
0x3c: {  	[tilespmem:s13], [sflag:$0x2] =	stream.indirect.gather @!p0 [hbm4b:s4+s7], $0x40, s7, s7, $0xb8;
	[tilespmem:$0x16400] =	vst v63  }
0x3d: {  	s28 =	simm.s32 @!p0 $0xA400;
	s13 =	simm.s32 @!p0 $0x100  }
0x3e: {  	[tilespmem:s28], [sflag:$0x3] =	stream.indirect.gather @!p0 [hbm4b:s4+s7], $0x40, s13, s7, $0xb8;
	[tilespmem:$0x16400] =	vst v63  }
0x3f: {  	s13 =	simm.s32 @!p0 $0x180;
	s28 =	simm.s32 @!p0 $0xC400  }
0x40: {  	[tilespmem:s28], [sflag:$0x4] =	stream.indirect.gather @!p0 [hbm4b:s4+s7], $0x40, s13, s7, $0xb8;
	[tilespmem:$0x16400] =	vst v63  }
0x41: {  	s13 =	simm.s32 @!p0 $0x200;
	s28 =	simm.s32 @!p0 $0xE400  }
0x42: {  	[tilespmem:s28], [sflag:$0x5] =	stream.indirect.gather @!p0 [hbm4b:s4+s7], $0x40, s13, s7, $0xb8;
	[tilespmem:$0x16400] =	vst v63  }
0x43: {  	s13 =	simm.s32 @!p0 $0x280;
	s28 =	simm.s32 @!p0 $0x10400  }
0x44: {  	[tilespmem:s28], [sflag:$0x6] =	stream.indirect.gather @!p0 [hbm4b:s4+s7], $0x40, s13, s7, $0xb8;
	[tilespmem:$0x16400] =	vst v63  }
0x45: {  	s15 =	simm.s32 @!p0 $0x12400;
	s28 =	sor.u32 @p0 $0x380, s6;
	s13 =	simm.s32 @!p0 $0x300  }
0x46: {  	[tilespmem:s15], [sflag:$0x7] =	stream.indirect.gather @!p0 [hbm4b:s4+s7], $0x40, s13, s7, $0xb8;
	[tilespmem:$0x16400] =	vst v63  }
0x47: {  	s28 =	simm.s32 @!p0 $0x380  }
0x48: {  	[tilespmem:s10], [sflag:$0x8] =	stream.indirect.gather [hbm4b:s4+s9], $0x40, s28, s9, $0xb8;
	[tilespmem:$0x16400] =	vst v63  }
0x49: {  	_ =	swait.ge [sflag:s11], $0x2000  }
0x4a: {  	[sflag:s11] =	ssyncset.done $0x0  }
0x4b: {  	s7 =	simm.s32 $0x0;
	[sflag:s11] =	ssyncadd.s32 $0xFFFFE000  }
0x4c: {  	s2 =	simm.s32 @!p0 $0x80;
	v0 =	vld [tilespmem:s7+$0x6400]  }
0x4d: {  	s0 =	simm.s32 @!p0 $0x100;
	s1 =	simm.s32 @!p0 $0x180;
	s31 =	simm.s32 @!p0 $0x200;
	v1 =	vld [tilespmem:s7+$0x6410]  }
0x4e: {  	s30 =	simm.s32 @!p0 $0x280;
	s29 =	simm.s32 @!p0 $0x300;
	s13 =	simm.s32 $0x100;
	v2 =	vld [tilespmem:s7+$0x6420]  }
.LBB2_3:
0x4f: {  	p0 =	sne.s32 s13, $0x7F00;
	v3 =	vld [tilespmem:s7+$0x6430];
	_ =	sdelay $0x1  }
0x50: {  	v0 =	vmul.f32 $8.000000000e+00, v0  }
.Ltmp0:
0x51: {  	v1 =	vmul.f32 $8.000000000e+00, v1;
	(pc) =	sbr.rel @p0 .LBB2_3-.Ltmp0, $4  }
0x52: {  	s15 =	sshra.s32 s13, $0x2;
	[tilespmem:s7+$0x6400] =	vst v0;
	v2 =	vmul.f32 $8.000000000e+00, v2  }
0x53: {  	v0 =	vld [tilespmem:s15+$0x6400];
	[tilespmem:s7+$0x6410] =	vst v1;
	v3 =	vmul.f32 $8.000000000e+00, v3  }
0x54: {  	v1 =	vld [tilespmem:s15+$0x6410];
	[tilespmem:s7+$0x6420] =	vst v2  }
0x55: {  	s13 =	sadd.s32 $0x100, s13;
	v2 =	vld [tilespmem:s15+$0x6420];
	[tilespmem:s7+$0x6430] =	vst v3;
	s7 =	smov.u32 s15  }
0x56: {  	v3 =	vld [tilespmem:s7+$0x6430];
	_ =	sdelay $0x1  }
0x57: {  	v0 =	vmul.f32 $8.000000000e+00, v0  }
0x58: {  	v1 =	vmul.f32 $8.000000000e+00, v1  }
0x59: {  	[tilespmem:s7+$0x6400] =	vst v0;
	v0 =	vmul.f32 $8.000000000e+00, v2  }
0x5a: {  	s6 =	sadd.s32 s3, s6;
	[tilespmem:s7+$0x6410] =	vst v1;
	v1 =	vmul.f32 $8.000000000e+00, v3  }
0x5b: {  	s6 =	sshll.u32 s6, $0x4;
	[tilespmem:s7+$0x6420] =	vst v0  }
0x5c: {  	s15 =	simm.s32 $0x6400;
	s6 =	sadd.s32 s5, s6;
	[tilespmem:s7+$0x6430] =	vst v1  }
0x5d: {  	[hbm4b:s6+s12] =	stream.strided.scatter [tilespmem:s15], [sflag:$0x9], $0x2000, s9, s12, $0x38;
	[tilespmem:$0x16400] =	vst v63  }
0x5e: {  	_ =	swait.ge [sflag:s14], $0x2000  }
0x5f: {  	[sflag:s14] =	ssyncset.done $0x0  }
0x60: {  	s6 =	simm.s32 $0x0;
	[sflag:s14] =	ssyncadd.s32 $0xFFFFE000  }
0x61: {  	v0 =	vld [tilespmem:s6+$0x8400]  }
0x62: {  	v2 =	vld [tilespmem:s6+$0x8410]  }
0x63: {  	s7 =	simm.s32 $0x100;
	v1 =	vld [tilespmem:s6+$0x8420]  }
.LBB2_5:
0x64: {  	p0 =	sne.s32 s7, $0x7F00;
	v3 =	vld [tilespmem:s6+$0x8430];
	_ =	sdelay $0x1  }
0x65: {  	v0 =	vmul.f32 $8.000000000e+00, v0  }
.Ltmp1:
0x66: {  	v2 =	vmul.f32 $8.000000000e+00, v2;
	(pc) =	sbr.rel @p0 .LBB2_5-.Ltmp1, $4  }
0x67: {  	s13 =	sshra.s32 s7, $0x2;
	[tilespmem:s6+$0x8400] =	vst v0;
	v1 =	vmul.f32 $8.000000000e+00, v1  }
0x68: {  	v0 =	vld [tilespmem:s13+$0x8400];
	[tilespmem:s6+$0x8410] =	vst v2;
	v3 =	vmul.f32 $8.000000000e+00, v3  }
0x69: {  	v2 =	vld [tilespmem:s13+$0x8410];
	[tilespmem:s6+$0x8420] =	vst v1  }
0x6a: {  	s7 =	sadd.s32 $0x100, s7;
	v1 =	vld [tilespmem:s13+$0x8420];
	[tilespmem:s6+$0x8430] =	vst v3;
	s6 =	smov.u32 s13  }
0x6b: {  	v3 =	vld [tilespmem:s6+$0x8430];
	_ =	sdelay $0x1  }
0x6c: {  	v0 =	vmul.f32 $8.000000000e+00, v0  }
0x6d: {  	v2 =	vmul.f32 $8.000000000e+00, v2  }
0x6e: {  	s2 =	sadd.s32 s3, s2;
	[tilespmem:s6+$0x8400] =	vst v0;
	v0 =	vmul.f32 $8.000000000e+00, v1  }
0x6f: {  	s2 =	sshll.u32 s2, $0x4;
	[tilespmem:s6+$0x8410] =	vst v2;
	v1 =	vmul.f32 $8.000000000e+00, v3  }
0x70: {  	s2 =	sand.u32 $0x1FFFC800, s2;
	[tilespmem:s6+$0x8420] =	vst v0  }
0x71: {  	s15 =	simm.s32 $0x8400;
	s2 =	sadd.s32 s5, s2;
	[tilespmem:s6+$0x8430] =	vst v1  }
0x72: {  	[hbm4b:s2+s12] =	stream.strided.scatter [tilespmem:s15], [sflag:$0xA], $0x2000, s9, s12, $0x38;
	[tilespmem:$0x16400] =	vst v63  }
0x73: {  	_ =	swait.ge [sflag:s16], $0x2000  }
0x74: {  	[sflag:s16] =	ssyncset.done $0x0  }
0x75: {  	s2 =	simm.s32 $0x0;
	[sflag:s16] =	ssyncadd.s32 $0xFFFFE000  }
0x76: {  	v0 =	vld [tilespmem:s2+$0xA400]  }
0x77: {  	v2 =	vld [tilespmem:s2+$0xA410]  }
0x78: {  	s6 =	simm.s32 $0x100;
	v1 =	vld [tilespmem:s2+$0xA420]  }
.LBB2_7:
0x79: {  	p0 =	sne.s32 s6, $0x7F00;
	v3 =	vld [tilespmem:s2+$0xA430];
	_ =	sdelay $0x1  }
0x7a: {  	v0 =	vmul.f32 $8.000000000e+00, v0  }
.Ltmp2:
0x7b: {  	v2 =	vmul.f32 $8.000000000e+00, v2;
	(pc) =	sbr.rel @p0 .LBB2_7-.Ltmp2, $4  }
0x7c: {  	s7 =	sshra.s32 s6, $0x2;
	[tilespmem:s2+$0xA400] =	vst v0;
	v1 =	vmul.f32 $8.000000000e+00, v1  }
0x7d: {  	v0 =	vld [tilespmem:s7+$0xA400];
	[tilespmem:s2+$0xA410] =	vst v2;
	v3 =	vmul.f32 $8.000000000e+00, v3  }
0x7e: {  	v2 =	vld [tilespmem:s7+$0xA410];
	[tilespmem:s2+$0xA420] =	vst v1  }
0x7f: {  	s6 =	sadd.s32 $0x100, s6;
	v1 =	vld [tilespmem:s7+$0xA420];
	[tilespmem:s2+$0xA430] =	vst v3;
	s2 =	smov.u32 s7  }
0x80: {  	v3 =	vld [tilespmem:s2+$0xA430];
	_ =	sdelay $0x1  }
0x81: {  	v0 =	vmul.f32 $8.000000000e+00, v0  }
0x82: {  	v2 =	vmul.f32 $8.000000000e+00, v2  }
0x83: {  	s0 =	sadd.s32 s3, s0;
	[tilespmem:s2+$0xA400] =	vst v0;
	v0 =	vmul.f32 $8.000000000e+00, v1  }
0x84: {  	s0 =	sshll.u32 s0, $0x4;
	[tilespmem:s2+$0xA410] =	vst v2;
	v1 =	vmul.f32 $8.000000000e+00, v3  }
0x85: {  	s0 =	sand.u32 $0x1FFFD000, s0;
	[tilespmem:s2+$0xA420] =	vst v0  }
0x86: {  	s0 =	sadd.s32 s5, s0;
	[tilespmem:s2+$0xA430] =	vst v1  }
0x87: {  	[hbm4b:s0+s12] =	stream.strided.scatter [tilespmem:s17], [sflag:$0xB], $0x2000, s9, s12, $0x38;
	[tilespmem:$0x16400] =	vst v63  }
0x88: {  	_ =	swait.ge [sflag:s18], $0x2000  }
0x89: {  	[sflag:s18] =	ssyncset.done $0x0  }
0x8a: {  	s0 =	simm.s32 $0x0;
	[sflag:s18] =	ssyncadd.s32 $0xFFFFE000  }
0x8b: {  	v0 =	vld [tilespmem:s0+$0xC400]  }
0x8c: {  	v2 =	vld [tilespmem:s0+$0xC410]  }
0x8d: {  	s2 =	simm.s32 $0x100;
	v1 =	vld [tilespmem:s0+$0xC420]  }
.LBB2_9:
0x8e: {  	p0 =	sne.s32 s2, $0x7F00;
	v3 =	vld [tilespmem:s0+$0xC430];
	_ =	sdelay $0x1  }
0x8f: {  	v0 =	vmul.f32 $8.000000000e+00, v0  }
.Ltmp3:
0x90: {  	v2 =	vmul.f32 $8.000000000e+00, v2;
	(pc) =	sbr.rel @p0 .LBB2_9-.Ltmp3, $4  }
0x91: {  	s6 =	sshra.s32 s2, $0x2;
	[tilespmem:s0+$0xC400] =	vst v0;
	v1 =	vmul.f32 $8.000000000e+00, v1  }
0x92: {  	v0 =	vld [tilespmem:s6+$0xC400];
	[tilespmem:s0+$0xC410] =	vst v2;
	v3 =	vmul.f32 $8.000000000e+00, v3  }
0x93: {  	v2 =	vld [tilespmem:s6+$0xC410];
	[tilespmem:s0+$0xC420] =	vst v1  }
0x94: {  	s2 =	sadd.s32 $0x100, s2;
	v1 =	vld [tilespmem:s6+$0xC420];
	[tilespmem:s0+$0xC430] =	vst v3;
	s0 =	smov.u32 s6  }
0x95: {  	v3 =	vld [tilespmem:s0+$0xC430];
	_ =	sdelay $0x1  }
0x96: {  	v0 =	vmul.f32 $8.000000000e+00, v0  }
0x97: {  	v2 =	vmul.f32 $8.000000000e+00, v2  }
0x98: {  	s1 =	sadd.s32 s3, s1;
	[tilespmem:s0+$0xC400] =	vst v0;
	v0 =	vmul.f32 $8.000000000e+00, v1  }
0x99: {  	s1 =	sshll.u32 s1, $0x4;
	[tilespmem:s0+$0xC410] =	vst v2;
	v1 =	vmul.f32 $8.000000000e+00, v3  }
0x9a: {  	s1 =	sand.u32 $0x1FFFD800, s1;
	[tilespmem:s0+$0xC420] =	vst v0  }
0x9b: {  	s15 =	sadd.s32 s5, s1;
	[tilespmem:s0+$0xC430] =	vst v1  }
0x9c: {  	[hbm4b:s15+s12] =	stream.strided.scatter [tilespmem:s19], [sflag:$0xC], $0x2000, s9, s12, $0x38;
	[tilespmem:$0x16400] =	vst v63  }
0x9d: {  	_ =	swait.ge [sflag:s20], $0x2000  }
0x9e: {  	[sflag:s20] =	ssyncset.done $0x0  }
0x9f: {  	s0 =	simm.s32 $0x0;
	[sflag:s20] =	ssyncadd.s32 $0xFFFFE000  }
0xa0: {  	v0 =	vld [tilespmem:s0+$0xE400]  }
0xa1: {  	v2 =	vld [tilespmem:s0+$0xE410]  }
0xa2: {  	s1 =	simm.s32 $0x100;
	v1 =	vld [tilespmem:s0+$0xE420]  }
.LBB2_11:
0xa3: {  	p0 =	sne.s32 s1, $0x7F00;
	v3 =	vld [tilespmem:s0+$0xE430];
	_ =	sdelay $0x1  }
0xa4: {  	v0 =	vmul.f32 $8.000000000e+00, v0  }
.Ltmp4:
0xa5: {  	v2 =	vmul.f32 $8.000000000e+00, v2;
	(pc) =	sbr.rel @p0 .LBB2_11-.Ltmp4, $4  }
0xa6: {  	s2 =	sshra.s32 s1, $0x2;
	[tilespmem:s0+$0xE400] =	vst v0;
	v1 =	vmul.f32 $8.000000000e+00, v1  }
0xa7: {  	v0 =	vld [tilespmem:s2+$0xE400];
	[tilespmem:s0+$0xE410] =	vst v2;
	v3 =	vmul.f32 $8.000000000e+00, v3  }
0xa8: {  	v2 =	vld [tilespmem:s2+$0xE410];
	[tilespmem:s0+$0xE420] =	vst v1  }
0xa9: {  	s1 =	sadd.s32 $0x100, s1;
	v1 =	vld [tilespmem:s2+$0xE420];
	[tilespmem:s0+$0xE430] =	vst v3;
	s0 =	smov.u32 s2  }
0xaa: {  	v3 =	vld [tilespmem:s0+$0xE430];
	_ =	sdelay $0x1  }
0xab: {  	v0 =	vmul.f32 $8.000000000e+00, v0  }
0xac: {  	v2 =	vmul.f32 $8.000000000e+00, v2  }
0xad: {  	s1 =	sadd.s32 s3, s31;
	[tilespmem:s0+$0xE400] =	vst v0;
	v0 =	vmul.f32 $8.000000000e+00, v1  }
0xae: {  	s1 =	sshll.u32 s1, $0x4;
	[tilespmem:s0+$0xE410] =	vst v2;
	v1 =	vmul.f32 $8.000000000e+00, v3  }
0xaf: {  	s1 =	sand.u32 $0x1FFFE000, s1;
	[tilespmem:s0+$0xE420] =	vst v0  }
0xb0: {  	s31 =	sadd.s32 s5, s1;
	[tilespmem:s0+$0xE430] =	vst v1  }
0xb1: {  	[hbm4b:s31+s12] =	stream.strided.scatter [tilespmem:s21], [sflag:$0xD], $0x2000, s9, s12, $0x38;
	[tilespmem:$0x16400] =	vst v63  }
0xb2: {  	_ =	swait.ge [sflag:s22], $0x2000  }
0xb3: {  	[sflag:s22] =	ssyncset.done $0x0  }
0xb4: {  	s0 =	simm.s32 $0x0;
	[sflag:s22] =	ssyncadd.s32 $0xFFFFE000  }
0xb5: {  	v0 =	vld [tilespmem:s0+$0x10400]  }
0xb6: {  	v2 =	vld [tilespmem:s0+$0x10410]  }
0xb7: {  	s1 =	simm.s32 $0x100;
	v1 =	vld [tilespmem:s0+$0x10420]  }
.LBB2_13:
0xb8: {  	p0 =	sne.s32 s1, $0x7F00;
	v3 =	vld [tilespmem:s0+$0x10430];
	_ =	sdelay $0x1  }
0xb9: {  	v0 =	vmul.f32 $8.000000000e+00, v0  }
.Ltmp5:
0xba: {  	v2 =	vmul.f32 $8.000000000e+00, v2;
	(pc) =	sbr.rel @p0 .LBB2_13-.Ltmp5, $4  }
0xbb: {  	s2 =	sshra.s32 s1, $0x2;
	[tilespmem:s0+$0x10400] =	vst v0;
	v1 =	vmul.f32 $8.000000000e+00, v1  }
0xbc: {  	v0 =	vld [tilespmem:s2+$0x10400];
	[tilespmem:s0+$0x10410] =	vst v2;
	v3 =	vmul.f32 $8.000000000e+00, v3  }
0xbd: {  	v2 =	vld [tilespmem:s2+$0x10410];
	[tilespmem:s0+$0x10420] =	vst v1  }
0xbe: {  	s1 =	sadd.s32 $0x100, s1;
	v1 =	vld [tilespmem:s2+$0x10420];
	[tilespmem:s0+$0x10430] =	vst v3;
	s0 =	smov.u32 s2  }
0xbf: {  	v3 =	vld [tilespmem:s0+$0x10430];
	_ =	sdelay $0x1  }
0xc0: {  	v0 =	vmul.f32 $8.000000000e+00, v0  }
0xc1: {  	v2 =	vmul.f32 $8.000000000e+00, v2  }
0xc2: {  	s1 =	sadd.s32 s3, s30;
	[tilespmem:s0+$0x10400] =	vst v0;
	v0 =	vmul.f32 $8.000000000e+00, v1  }
0xc3: {  	s1 =	sshll.u32 s1, $0x4;
	[tilespmem:s0+$0x10410] =	vst v2;
	v1 =	vmul.f32 $8.000000000e+00, v3  }
0xc4: {  	s1 =	sand.u32 $0x1FFFE800, s1;
	[tilespmem:s0+$0x10420] =	vst v0  }
0xc5: {  	s31 =	sadd.s32 s5, s1;
	[tilespmem:s0+$0x10430] =	vst v1  }
0xc6: {  	[hbm4b:s31+s12] =	stream.strided.scatter [tilespmem:s23], [sflag:$0xE], $0x2000, s9, s12, $0x38;
	[tilespmem:$0x16400] =	vst v63  }
0xc7: {  	_ =	swait.ge [sflag:s24], $0x2000  }
0xc8: {  	[sflag:s24] =	ssyncset.done $0x0  }
0xc9: {  	s0 =	simm.s32 $0x0;
	[sflag:s24] =	ssyncadd.s32 $0xFFFFE000  }
0xca: {  	v0 =	vld [tilespmem:s0+$0x12400]  }
0xcb: {  	v2 =	vld [tilespmem:s0+$0x12410]  }
0xcc: {  	s1 =	simm.s32 $0x100;
	v1 =	vld [tilespmem:s0+$0x12420]  }
.LBB2_15:
0xcd: {  	p0 =	sne.s32 s1, $0x7F00;
	v3 =	vld [tilespmem:s0+$0x12430];
	_ =	sdelay $0x1  }
0xce: {  	v0 =	vmul.f32 $8.000000000e+00, v0  }
.Ltmp6:
0xcf: {  	v2 =	vmul.f32 $8.000000000e+00, v2;
	(pc) =	sbr.rel @p0 .LBB2_15-.Ltmp6, $4  }
0xd0: {  	s2 =	sshra.s32 s1, $0x2;
	[tilespmem:s0+$0x12400] =	vst v0;
	v1 =	vmul.f32 $8.000000000e+00, v1  }
0xd1: {  	v0 =	vld [tilespmem:s2+$0x12400];
	[tilespmem:s0+$0x12410] =	vst v2;
	v3 =	vmul.f32 $8.000000000e+00, v3  }
0xd2: {  	v2 =	vld [tilespmem:s2+$0x12410];
	[tilespmem:s0+$0x12420] =	vst v1  }
0xd3: {  	s1 =	sadd.s32 $0x100, s1;
	v1 =	vld [tilespmem:s2+$0x12420];
	[tilespmem:s0+$0x12430] =	vst v3;
	s0 =	smov.u32 s2  }
0xd4: {  	v3 =	vld [tilespmem:s0+$0x12430];
	_ =	sdelay $0x1  }
0xd5: {  	v0 =	vmul.f32 $8.000000000e+00, v0  }
0xd6: {  	v2 =	vmul.f32 $8.000000000e+00, v2  }
0xd7: {  	s1 =	sadd.s32 s3, s29;
	[tilespmem:s0+$0x12400] =	vst v0;
	v0 =	vmul.f32 $8.000000000e+00, v1  }
0xd8: {  	s1 =	sshll.u32 s1, $0x4;
	[tilespmem:s0+$0x12410] =	vst v2;
	v1 =	vmul.f32 $8.000000000e+00, v3  }
0xd9: {  	s1 =	sand.u32 $0x1FFFF000, s1;
	[tilespmem:s0+$0x12420] =	vst v0  }
0xda: {  	s31 =	sadd.s32 s5, s1;
	[tilespmem:s0+$0x12430] =	vst v1  }
0xdb: {  	[hbm4b:s31+s12] =	stream.strided.scatter [tilespmem:s25], [sflag:$0xF], $0x2000, s9, s12, $0x38;
	[tilespmem:$0x16400] =	vst v63  }
0xdc: {  	_ =	swait.ge [sflag:s26], $0x2000  }
0xdd: {  	[sflag:s26] =	ssyncset.done $0x0  }
0xde: {  	s0 =	simm.s32 $0x0;
	[sflag:s26] =	ssyncadd.s32 $0xFFFFE000  }
0xdf: {  	v0 =	vld [tilespmem:s0+$0x14400]  }
0xe0: {  	v2 =	vld [tilespmem:s0+$0x14410]  }
0xe1: {  	s1 =	simm.s32 $0x100;
	v1 =	vld [tilespmem:s0+$0x14420]  }
.LBB2_17:
0xe2: {  	p0 =	sne.s32 s1, $0x7F00;
	v3 =	vld [tilespmem:s0+$0x14430];
	_ =	sdelay $0x1  }
0xe3: {  	v0 =	vmul.f32 $8.000000000e+00, v0  }
.Ltmp7:
0xe4: {  	v2 =	vmul.f32 $8.000000000e+00, v2;
	(pc) =	sbr.rel @p0 .LBB2_17-.Ltmp7, $4  }
0xe5: {  	s2 =	sshra.s32 s1, $0x2;
	[tilespmem:s0+$0x14400] =	vst v0;
	v1 =	vmul.f32 $8.000000000e+00, v1  }
0xe6: {  	v0 =	vld [tilespmem:s2+$0x14400];
	[tilespmem:s0+$0x14410] =	vst v2;
	v3 =	vmul.f32 $8.000000000e+00, v3  }
0xe7: {  	v2 =	vld [tilespmem:s2+$0x14410];
	[tilespmem:s0+$0x14420] =	vst v1  }
0xe8: {  	s1 =	sadd.s32 $0x100, s1;
	v1 =	vld [tilespmem:s2+$0x14420];
	[tilespmem:s0+$0x14430] =	vst v3;
	s0 =	smov.u32 s2  }
0xe9: {  	v3 =	vld [tilespmem:s0+$0x14430];
	_ =	sdelay $0x1  }
0xea: {  	s8 =	sadd.s32 $0x1, s8;
	v0 =	vmul.f32 $8.000000000e+00, v0  }
0xeb: {  	p0 =	sne.s32 s8, $0x19;
	v2 =	vmul.f32 $8.000000000e+00, v2  }
.Ltmp8:
0xec: {  	s1 =	sadd.s32 s3, s28;
	[tilespmem:s0+$0x14400] =	vst v0;
	v62 =	vmul.f32 $8.000000000e+00, v1;
	(pc) =	sbr.rel @p0 .LBB2_2-.Ltmp8, $4  }
0xed: {  	s1 =	sshll.u32 s1, $0x4;
	[tilespmem:s0+$0x14410] =	vst v2;
	v63 =	vmul.f32 $8.000000000e+00, v3  }
0xee: {  	s1 =	sand.u32 $0x1FFFF800, s1;
	[tilespmem:s0+$0x14420] =	vst v62  }
0xef: {  	s31 =	sadd.s32 s5, s1;
	[tilespmem:s0+$0x14430] =	vst v63  }
0xf0: {  	[hbm4b:s31+s12] =	stream.strided.scatter [tilespmem:s10], [sflag:$0x10], $0x2000, s9, s12, $0x38;
	[tilespmem:$0x16400] =	vst v63  }
0xf1: {  	s0 =	simm.s32 $0x9  }
0xf2: {  	_ =	swait.ge [sflag:s0], $0x2000  }
0xf3: {  	[sflag:s0] =	ssyncset.done $0x0  }
0xf4: {  	s8 =	simm.s32 $0xA;
	[sflag:s0] =	ssyncadd.s32 $0xFFFFE000  }
0xf5: {  	_ =	swait.ge [sflag:s8], $0x2000  }
0xf6: {  	[sflag:s8] =	ssyncset.done $0x0  }
0xf7: {  	s13 =	simm.s32 $0xB;
	[sflag:s8] =	ssyncadd.s32 $0xFFFFE000  }
0xf8: {  	_ =	swait.ge [sflag:s13], $0x2000  }
0xf9: {  	[sflag:s13] =	ssyncset.done $0x0  }
0xfa: {  	s15 =	simm.s32 $0xC;
	[sflag:s13] =	ssyncadd.s32 $0xFFFFE000  }
0xfb: {  	_ =	swait.ge [sflag:s15], $0x2000  }
0xfc: {  	[sflag:s15] =	ssyncset.done $0x0  }
0xfd: {  	s28 =	simm.s32 $0xD;
	[sflag:s15] =	ssyncadd.s32 $0xFFFFE000  }
0xfe: {  	_ =	swait.ge [sflag:s28], $0x2000  }
0xff: {  	[sflag:s28] =	ssyncset.done $0x0  }
0x100: {  	s29 =	simm.s32 $0xE;
	[sflag:s28] =	ssyncadd.s32 $0xFFFFE000  }
0x101: {  	_ =	swait.ge [sflag:s29], $0x2000  }
0x102: {  	[sflag:s29] =	ssyncset.done $0x0  }
0x103: {  	s30 =	simm.s32 $0xF;
	[sflag:s29] =	ssyncadd.s32 $0xFFFFE000  }
0x104: {  	_ =	swait.ge [sflag:s30], $0x2000  }
0x105: {  	[sflag:s30] =	ssyncset.done $0x0  }
0x106: {  	s1 =	simm.s32 $0x10;
	[sflag:s30] =	ssyncadd.s32 $0xFFFFE000  }
0x107: {  	_ =	swait.ge [sflag:s1], $0x2000  }
0x108: {  	s2 =	rddreg [dreg:$0x5]  }
0x109: {  	s31 =	rddreg [dreg:$0x4];
	s2 =	sadd.s32 $0x1, s2  }
0x10a: {  	p0 =	sne.s32 s2, s31  }
.Ltmp9:
0x10b: {  	_ = 	snop;
	(pc) =	sbr.rel @p0 .LBB2_1-.Ltmp9, $3  }
0x10c: {  	_ =	sdelay $0x1  }
0x10d: {  	[sflag:s1] =	ssyncset.done $0x0  }
0x10e: {  	[sflag:s1] =	ssyncadd.s32 $0xFFFFE000  }
0x10f: {  	_ =	sfence.sel $0x180000  }
0x110: {  	[bflag:$0x0] =	sbarrier.arrive $0xFFFF  }
0x111: {  	_ =	strace $0x9000004A  }
0x112: {  	s0 =	stileid.u32;
	[bflag:$0x2] =	sbarrier.arrive $0xFFFF  }
0x113: {  	p0 =	sne.s32 s0, $0x0;
	s0 =	rddreg [dreg:$0x2]  }
0x114: {  	s0 =	sadd.s32 @!p0 $0x100000, s0  }
0x115: {  	[sflag:s0] =	ssyncadd.tile.s32 @!p0 $0x1;
	_ =	shalt  }
.Lfunc_end2:
_tile_overlayer_lowered:
.L_overlay_start_2:
0x116: {  	(tag) =	ssettag $0x2  }
0x117: {  	s0 =	rddreg [dreg:$0x0];
	s2 =	stileid.u32  }
0x118: {  	s1 =	rddreg [dreg:$0x1];
	p0 =	sne.s32 s2, $0x0  }
0x119: {  	s3 =	rddreg [dreg:$0x2];
	[bflag:$0x3] =	sbarrier.arrive $0xFFFF;
	s2 =	simm.s32 @!p0 $0x1C12  }
0x11a: {  	[timem:s3], [sflag:s2] =	dma.local @!p0 [hbm:s0], s1  }
0x11b: {  	s0 =	simm.s32 @!p0 $0x12  }
0x11c: {  	_ =	swait.ge @!p0 [sflag:s0], s1  }
0x11d: {  	s1 =	ssub.s32 @!p0 $0x0, s1;
	[sflag:s0] =	ssyncset.done @!p0 $0x0  }
0x11e: {  	[sflag:s0] =	ssyncadd.s32 @!p0 s1  }
0x11f: {  	[bflag:$0x3] =	sbarrier.arrive $0xFFFF  }
0x120: {  	_ =	shalt  }

// kernel: sparse-core-data-format-call.1.cloned.1.call-start
scs
called_computation.1_lowered:
.L_overlay_start_0:
0x0: {  	s2 =	sld [smem:$0x3FD9]  }
0x1: {  	s3 =	sld [smem:$0x3FFE];
	_ =	sdelay $0x1  }
0x2: {  	s1 =	srdreg.scid  }
0x3: {  	s0 =	sand.u32 $0x1, s1  }
0x4: {  	s18 =	sshll.u32 s0, $0xA;
	s2 =	sadd.s32 s3, s2  }
0x5: {  	s2 =	sadd.s32 s2, s18  }
0x6: {  	[smem:$0x3FC6] =	sst s2  }
0x7: {  	_ = 	snop  }
0x8: {  	s2 =	sld [smem:$0x3FC8];
	(tm) =	ssettm $0x1  }
0x9: {  	s19 =	sld [smem:$0x3FFB];
	_ =	sdelay $0x3  }
0xa: {  	_ =	strace s19  }
0xb: {  	s3 =	sld [smem:$0x3FFC];
	_ =	sdelay $0x3  }
0xc: {  	_ =	strace s3  }
0xd: {  	s3 =	sld [smem:$0x3FFD];
	_ =	sdelay $0x3  }
0xe: {  	_ =	strace s3  }
0xf: {  	_ =	strace $0x8FFFFFFF  }
0x10: {  	s20 =	sld [smem:$0x3FDB];
	_ =	sdelay $0x1  }
0x11: {  	s4 =	simm.s32 $_scs_section_size  }
0x12: {  	s5 =	simm.s32 $_size__tile_overlayer_lowered;
	s6 =	simm.s32 $_tile_overlayer_lowered  }
0x13: {  	s23 =	simm.s32 $0x1BFF;
	s22 =	sshll.u32 s6, $0x1;
	s3 =	sadd.s32 s4, s20  }
0x14: {  	s7 =	simm.s32 $0x0;
	s21 =	sshll.u32 s5, $0x1;
	s5 =	sadd.s32 s22, s3  }
0x15: {  	[timem:s7], [sflag:s23] =	dma.local [hbm:s5], s21  }
0x16: {  	_ =	swait.ge [sflag:s23], s21  }
0x17: {  	s4 =	ssub.s32 $0x0, s21;
	[sflag:s23] =	ssyncset.done $0x0  }
0x18: {  	[sflag:s23] =	ssyncadd.s32 s4;
	_ =	sdelay $0x1  }
0x19: {  	s24 =	simm.s32 $0x1B8B  }
0x1a: {  	_ =	swait.ge [sflag:s24], $0x1  }
0x1b: {  	[sflag:s24] =	ssyncset.done $0x0  }
0x1c: {  	s26 =	simm.s32 $0x1B8E;
	s25 =	sld [smem:$0x3FFE];
	[sflag:s24] =	ssyncadd.s32 $0xFFFFFFFF  }
0x1d: {  	s27 =	simm.s32 $execute0_lowered;
	[smem:$0x3FD2] =	sst s26  }
0x1e: {  	s5 =	sshll.u32 s27, $0x1;
	_ =	strace $0x80000046;
	[dreg:$0x1] =	wrdreg $0xFFFFFFFF  }
0x1f: {  	s28 =	simm.s32 $_size_execute0_lowered;
	s3 =	sadd.s32 s3, s5;
	[dreg:$0x0] =	wrdreg $0x0  }
0x20: {  	s5 =	sshll.u32 s28, $0x1;
	[dreg:$0x2] =	wrdreg s3  }
0x21: {  	[dreg:$0x3] =	wrdreg s5  }
0x22: {  	[dreg:$0x4] =	wrdreg $0xC0  }
0x23: {  	_ =	task [dreg:s7], $0x5FFFF  }
0x24: {  	[dreg:$0x1] =	wrdreg $0xFFFFFFFF  }
0x25: {  	[dreg:$0x0] =	wrdreg $0x60  }
0x26: {  	[dreg:$0x2] =	wrdreg s2  }
0x27: {  	[dreg:$0x3] =	wrdreg s25  }
0x28: {  	[dreg:$0x4] =	wrdreg $0x9  }
0x29: {  	_ =	task.clear_ibuf [dreg:s7], $0x5FFFF;
	_ =	strace $0x90000046  }
0x2a: {  	s29 =	simm.s32 $0x9;
	_ =	strace $0x80000048  }
0x2b: {  	_ =	swait.ge [sflag:s29], $0x1  }
0x2c: {  	[sflag:s29] =	ssyncadd.s32 $0xFFFFFFFF  }
0x2d: {  	_ =	strace $0x90000048  }
0x2e: {  	_ =	sfence  }
0x2f: {  	s30 =	sld [smem:$0x0];
	_ =	sdelay $0x2  }
0x30: {  	s31 =	sshll.u32 s1, $0xD;
	s1 =	sshrl.u32 s1, $0x2  }
0x31: {  	s3 =	sand.u32 $0x4000, s31;
	s1 =	sadd.s32 s1, s30  }
0x32: {  	s0 =	sor.u32 s3, s0;
	s1 =	sshll.u32 s1, $0x11  }
0x33: {  	s0 =	sor.u32 s1, s0  }
0x34: {  	s0 =	sadd.s32 $0x8F2B, s0  }
0x35: {  	[sflag:s0] =	ssyncadd.remote.s32 $0x1  }
0x36: {  	_ =	sfence.sel $0xFFFF  }
0x37: {  	[dreg:$0x0] =	wrdreg $0xFFFFFFFF;
	(pc) =	sbr.abs _section_cstart, $3  }
0x38: {  	[dreg:$0x1] =	wrdreg $0xFFFFFFFF  }
0x39: {  	_ =	task.clear_ibuf [dreg:s7], $0x2FFFF;
	_ =	strace $0x9FFFFFFF  }
0x3a: {  	(tm) =	ssettm $0x7FFFFFFF  }
0x3b: {  	_ =	shalt  }
tec
execute0_lowered:
.L_overlay_start_1:
0x0: {  	(tag) =	ssettag $0x1  }
0x1: {  	s0 =	srdreg.scid;
	s2 =	rddreg [dreg:$0x0]  }
0x2: {  	s5 =	rddreg [dreg:$0x1];
	s1 =	stileid.u32  }
0x3: {  	s4 =	simm.s32 $0x1;
	s6 =	simm.s32 $0x2;
	s15 =	simm.s32 $0x0  }
0x4: {  	p0 =	por $0x0, $0x0;
	s8 =	simm.s32 $0x80;
	s0 =	sshll.u32 s0, $0x4  }
0x5: {  	s14 =	simm.s32 $0x0;
	s9 =	simm.s32 $0x0;
	s3 =	sand.u32 $0x10, s0  }
.Ltmp0:
0x6: {  	s10 =	simm.s32 $0x0;
	s3 =	sor.u32 s1, s3;
	(pc) =	sbr.rel .LBB1_1-.Ltmp0, $4  }
0x7: {  	s0 =	rddreg [dreg:$0x2];
	_ =	strace $0x80000047;
	s3 =	sshll.u32 s3, $0x7  }
0x8: {  	s12 =	simm.s32 $0x0;
	[sflag:s4] =	ssyncpa.u1 $0x0;
	s7 =	ssub.s32 $0xF4200, s3  }
0x9: {  	s13 =	simm.s32 $0x0;
	[sflag:s6] =	ssyncpa.u1 $0x0;
	s6 =	sshrl.u32 s7, $0xC  }
0xa: {  	s5 =	sadd.s32 $0xE00, s5;
	s11 =	smov.u32 s3;
	s7 =	sadd.s32 $0x2, s6  }
.LBB1_5:
0xb: {  	p1 =	slt.u32 s13, $0x2  }
0xc: {  	s17 =	smov.u32 s15;
	p2 =	sgt.s32 @!p1 s15, $0xF41C0;
	s16 =	sshra.s32 @!p1 s15, $0x1F  }
0xd: {  	p3 =	sgt.s32 @!p1 s14, $0x40;
	s18 =	sshra.s32 @!p1 s14, $0x1F;
	p2 =	por !p2, p1  }
0xe: {  	s15 =	sand.u32 @!p1 s16, s15;
	p3 =	por !p3, p1;
	s16 =	smov.u32 s14  }
0xf: {  	s14 =	sand.u32 @!p1 s18, s14;
	s17 =	simm.s32 @p2 $0xF41C0;
	s16 =	simm.s32 @p3 $0x40  }
0x10: {  	s15 =	ssub.s32 @!p1 s17, s15;
	s14 =	ssub.s32 @!p1 s16, s14  }
0x11: {  	s18 =	smov.u32 s12;
	s16 =	sadd.s32 @!p1 $0xFFF0BE40, s15;
	s17 =	sadd.s32 @!p1 $0xFFFFFFC0, s14  }
0x12: {  	s15 =	ssub.s32 @!p1 $0xF4240, s15;
	p2 =	sgt.s32 @!p1 s16, $0x7F;
	p3 =	sgt.s32 @!p1 s17, $0x3F  }
0x13: {  	s14 =	ssub.s32 @!p1 $0x80, s14;
	p2 =	por !p2, p1;
	p3 =	por !p3, p1  }
0x14: {  	s16 =	sadd.s32 $0x1000, s11;
	s15 =	simm.s32 @!p2 $0x0;
	s14 =	simm.s32 @!p3 $0x0  }
0x15: {  	p2 =	sgt.s32 s16, $0xF423F;
	s14 =	smul.u32 @!p1 s14, s15;
	s15 =	sadd.s32 $0x40, s12  }
0x16: {  	s18 =	smov.u32 @p2 s15  }
0x17: {  	s16 =	smov.u32 @p2 s3;
	p2 =	sgt.s32 s18, $0x3F  }
0x18: {  	s18 =	simm.s32 @p2 $0x0;
	p2 =	sne.s32 s13, s7  }
.Ltmp1:
0x19: {  	p0 =	por !p0, !p0;
	s17 =	simm.s32 @!p1 $0x2;
	(pc) =	sbr.rel @!p2 .LBB1_6-.Ltmp1, $4  }
0x1a: {  	s15 =	smov.u32 s9;
	s9 =	smov.u32 s11;
	s14 =	sand.u32 @!p1 $0x3FFFFFFF, s14  }
0x1b: {  	s11 =	smov.u32 s16;
	_ =	swait.ge @!p1 [sflag:s17], s14;
	s19 =	ssub.s32 @!p1 $0x0, s14  }
0x1c: {  	s14 =	smov.u32 s10;
	s13 =	sadd.s32 $0x1, s13;
	[sflag:s17] =	ssyncset.done @!p1 $0x0  }
0x1d: {  	s10 =	smov.u32 s12;
	s12 =	smov.u32 s18;
	[sflag:s17] =	ssyncadd.s32 @!p1 s19  }
.LBB1_1:
0x1e: {  	p1 =	sgt.u32 s13, s6  }
0x1f: {  	s16 =	sshrl.u32 @!p1 s12, $0x3  }
0x20: {  	s17 =	sshll.u32 @!p1 s11, $0x3;
	s16 =	smul.u32 @!p1 $0x7A1400, s16  }
0x21: {  	s18 =	sshll.u32 @!p1 s12, $0x7;
	s17 =	sand.u32 @!p1 $0xFFFFFC00, s17  }
0x22: {  	s16 =	sadd.s32 @!p1 s16, s17;
	s17 =	sand.u32 @!p1 $0x380, s18  }
0x23: {  	s18 =	sand.u32 @!p1 $0x7F, s11;
	s16 =	sor.u32 @!p1 s17, s16  }
0x24: {  	s17 =	sor.u32 @!p1 s18, s16  }
0x25: {  	s18 =	smulhi.u32 @!p1 $0x218D6287, s17;
	_ =	sdelay $0x1  }
0x26: {  	s16 =	smulhi.u32 @!p1 $0x218D6287, s16;
	s18 =	sshrl.u32 @!p1 s18, $0x11  }
0x27: {  	s18 =	smul.u32 @!p1 $0xF4280, s18  }
0x28: {  	s19 =	sxor.u32 @!p1 $0xFFFFFFFF, s13;
	s16 =	sshrl.u32 @!p1 s16, $0x11  }
0x29: {  	s19 =	sshll.u32 @!p1 s19, $0xD;
	s16 =	sand.u32 @!p1 $0x3F, s16;
	s17 =	ssub.s32 @!p1 s17, s18  }
0x2a: {  	s16 =	smul.u32 @!p1 $0x1E850, s16;
	s18 =	sshrl.u32 @!p1 s17, $0x3;
	s17 =	sand.u32 @!p1 $0x7, s17  }
0x2b: {  	s19 =	sand.u32 @!p1 $0x2000, s19;
	s18 =	sadd.s32 @!p1 s2, s18;
	s17 =	sshll.u32 @!p1 s17, $0x12  }
0x2c: {  	s16 =	sadd.s32 @!p1 s16, s18;
	s17 =	sor.u32 @!p1 $0x400, s17;
	s18 =	simm.s32 @!p1 $0x7A1400  }
0x2d: {  	[tilespmem:s19], [sflag:$0x1] =	stream.strided.gather @!p1 [hbm4b:s16+s17], $0x2000, s18, s17, $0x38;
	[tilespmem:$0x8100] =	vst v63  }
0x2e: {  	p1 =	seq.s32 s13, $0x0  }
0x2f: {  	p2 =	sge.u32 @!p1 s13, s7  }
0x30: {  	p1 =	por p1, p2  }
.Ltmp2:
0x31: {  	_ = 	snop;
	(pc) =	sbr.rel @p1 .LBB1_5-.Ltmp2, $1  }
0x32: {  	_ =	sdelay $0x3  }
0x33: {  	s16 =	simm.s32 $0x1  }
0x34: {  	_ =	swait.ge [sflag:s4], $0x2000;
	s16 =	simm.s32 @!p0 $0x0  }
0x35: {  	[sflag:s4] =	ssyncset.done $0x0;
	s17 =	sshll.u32 s16, $0xD  }
0x36: {  	[sflag:s4] =	ssyncadd.s32 $0xFFFFE000;
	s17 =	sor.u32 $0x40, s17  }
0x37: {  	s16 =	smul.u32 $0x8200, s16;
	v0 =	vld [tilespmem:s17+$0x30]  }
0x38: {  	v1 =	vld [tilespmem:s17+$0xFFFFFFD0]  }
0x39: {  	s16 =	sshrl.u32 s16, $0x2;
	v5 =	vld [tilespmem:s17+$0xFFFFFFE0]  }
0x3a: {  	v6 =	vld [tilespmem:s17+$0xFFFFFFF0];
	s19 =	sor.u32 $0x4000, s16  }
0x3b: {  	s31 =	sand.u32 $0x1, s13;
	v4 =	vld [tilespmem:s17+$0x0];
	s18 =	sadd.s32 $0x0, s19  }
0x3c: {  	v3 =	vld [tilespmem:s17+$0x10];
	s16 =	smul.u32 $0x8200, s31;
	[tilespmem:s18+$0x1C70 ss:$0x41] =	vst.msk $0xffff, v0  }
0x3d: {  	v2 =	vld [tilespmem:s17+$0x20];
	[tilespmem:s18+$0x410 ss:$0x41] =	vst.msk $0xffff, v1  }
0x3e: {  	s16 =	sshrl.u32 s16, $0x2;
	v1 =	vld [tilespmem:s17+$0xFFFFFFC0];
	[tilespmem:s18+$0x820 ss:$0x41] =	vst.msk $0xffff, v5;
	s17 =	sadd.s32 $0x80, s17  }
0x3f: {  	s20 =	simm.s32 $0x4;
	s21 =	simm.s32 $0x8;
	s16 =	sor.u32 $0x4000, s16;
	[tilespmem:s18+$0xC30 ss:$0x41] =	vst.msk $0xffff, v6;
	v0 =	vld [tilespmem:s17+$0x30]  }
.LBB1_3:
0x40: {  	p1 =	sne.s32 s21, $0xFC;
	v5 =	vld [tilespmem:s17+$0xFFFFFFD0];
	[tilespmem:s18+$0x1040 ss:$0x41] =	vst.msk $0xffff, v4  }
0x41: {  	v6 =	vld [tilespmem:s17+$0xFFFFFFE0];
	[tilespmem:s18+$0x1450 ss:$0x41] =	vst.msk $0xffff, v3  }
0x42: {  	s22 =	sshra.s32 s20, $0x2;
	s20 =	smov.u32 s21;
	v7 =	vld [tilespmem:s17+$0xFFFFFFF0];
	[tilespmem:s18+$0x1860 ss:$0x41] =	vst.msk $0xffff, v2  }
.Ltmp3:
0x43: {  	v4 =	vld [tilespmem:s17+$0x0];
	[tilespmem:s18+$0x0 ss:$0x41] =	vst.msk $0xffff, v1;
	s18 =	sadd.s32 s22, s19;
	(pc) =	sbr.rel @p1 .LBB1_3-.Ltmp3, $4  }
0x44: {  	v3 =	vld [tilespmem:s17+$0x10];
	[tilespmem:s18+$0x1C70 ss:$0x41] =	vst.msk $0xffff, v0  }
0x45: {  	[tilespmem:s18+$0x410 ss:$0x41] =	vst.msk $0xffff, v5;
	v2 =	vld [tilespmem:s17+$0x20]  }
0x46: {  	v1 =	vld [tilespmem:s17+$0xFFFFFFC0];
	[tilespmem:s18+$0x820 ss:$0x41] =	vst.msk $0xffff, v6;
	s17 =	sadd.s32 $0x80, s17  }
0x47: {  	s21 =	sadd.s32 $0x4, s21;
	v0 =	vld [tilespmem:s17+$0x30];
	[tilespmem:s18+$0xC30 ss:$0x41] =	vst.msk $0xffff, v7  }
0x48: {  	s21 =	sshll.u32 s9, $0x7;
	s22 =	sshll.u32 s10, $0x3;
	s20 =	sshra.s32 s20, $0x2  }
0x49: {  	p1 =	sgt.s32 s9, $0xF41C0;
	s30 =	sshra.s32 s9, $0x1F;
	s25 =	sshra.s32 s10, $0x1F  }
0x4a: {  	v5 =	vld [tilespmem:s17+$0xFFFFFFD0];
	s28 =	sshrl.u32 s10, $0x3;
	s23 =	sand.u32 $0xFFFFFC00, s21;
	s22 =	sand.u32 $0xFFFFFC00, s22  }
0x4b: {  	[tilespmem:s18+$0x1040 ss:$0x41] =	vst.msk $0xffff, v4;
	v58 =	vld [tilespmem:s17+$0xFFFFFFE0];
	s21 =	sand.u32 $0x380, s21;
	s19 =	sadd.s32 s20, s19;
	s22 =	sadd.s32 s22, s23  }
0x4c: {  	v59 =	vld [tilespmem:s17+$0xFFFFFFF0];
	[tilespmem:s18+$0x1450 ss:$0x41] =	vst.msk $0xffff, v3;
	s29 =	sor.u32 s21, s22;
	s21 =	smov.u32 s9;
	s22 =	sand.u32 s30, s9  }
0x4d: {  	v60 =	vld [tilespmem:s17+$0x0];
	[tilespmem:s18+$0x1860 ss:$0x41] =	vst.msk $0xffff, v2;
	s30 =	sand.u32 $0x7, s10;
	s20 =	sshrl.u32 s29, $0x7;
	s21 =	simm.s32 @!p1 $0xF41C0  }
0x4e: {  	v61 =	vld [tilespmem:s17+$0x10];
	[tilespmem:s18+$0x0 ss:$0x41] =	vst.msk $0xffff, v1;
	p1 =	sgt.s32 s10, $0x40;
	s24 =	ssub.s32 s21, s22;
	s21 =	smov.u32 s10  }
0x4f: {  	v62 =	vld [tilespmem:s17+$0x20];
	[tilespmem:s19+$0x1C70 ss:$0x41] =	vst.msk $0xffff, v0;
	s31 =	smulhi.u32 $0x218DEF5, s20;
	s22 =	sand.u32 s25, s10;
	s21 =	simm.s32 @!p1 $0x40  }
0x50: {  	v63 =	vld [tilespmem:s17+$0xFFFFFFC0];
	[tilespmem:s19+$0x410 ss:$0x41] =	vst.msk $0xffff, v5;
	s26 =	sadd.s32 $0xFFF0BE40, s24;
	s17 =	ssub.s32 $0xF4240, s24;
	s21 =	ssub.s32 s21, s22  }
0x51: {  	[tilespmem:s19+$0x820 ss:$0x41] =	vst.msk $0xffff, v58;
	s23 =	sshrl.u32 s31, $0xD;
	p1 =	sgt.s32 s26, $0x7F;
	s27 =	sadd.s32 $0xFFFFFFC0, s21  }
0x52: {  	[tilespmem:s19+$0xC30 ss:$0x41] =	vst.msk $0xffff, v59;
	s23 =	smul.u32 $0xF4240, s23;
	s18 =	ssub.s32 $0x80, s21;
	p2 =	sgt.s32 s27, $0x3F  }
.Ltmp4:
0x53: {  	[tilespmem:s19+$0x1040 ss:$0x41] =	vst.msk $0xffff, v60;
	s17 =	simm.s32 @p1 $0x0;
	s18 =	simm.s32 @p2 $0x0;
	(pc) =	sbr.rel .LBB1_5-.Ltmp4, $4  }
0x54: {  	s29 =	sand.u32 $0xF, s28;
	[tilespmem:s19+$0x1450 ss:$0x41] =	vst.msk $0xffff, v61;
	s20 =	ssub.s32 s20, s23;
	s17 =	smul.u32 s18, s17  }
0x55: {  	[tilespmem:s19+$0x1860 ss:$0x41] =	vst.msk $0xffff, v62;
	s21 =	sshll.u32 s30, $0x12;
	s20 =	sshll.u32 s20, $0x4;
	s18 =	sadd.s32 s5, s29  }
0x56: {  	[tilespmem:s19+$0x0 ss:$0x41] =	vst.msk $0xffff, v63;
	s31 =	sor.u32 $0x40, s21;
	s18 =	sadd.s32 s20, s18;
	s17 =	sand.u32 $0x3FFFFFFF, s17  }
0x57: {  	[hbm4b:s18+s31] =	stream.strided.scatter [tilespmem:s16], [sflag:$0x2], s17, s8, s31, $0x18;
	[tilespmem:$0x8100] =	vst v63  }
.LBB1_6:
0x58: {  	_ =	sfence.sel $0x180000  }
0x59: {  	s2 =	simm.s32 $0x1;
	[bflag:$0x0] =	sbarrier.arrive $0xFFFF  }
0x5a: {  	s31 =	simm.s32 $0x2;
	[sflag:s2] =	ssyncpa.u1 $0x1  }
0x5b: {  	[sflag:s31] =	ssyncpa.u1 $0x1  }
0x5c: {  	p0 =	sne.s32 s1, $0x0;
	_ =	strace $0x90000047  }
0x5d: {  	s0 =	sadd.s32 @!p0 $0x100000, s0;
	[bflag:$0x2] =	sbarrier.arrive $0xFFFF  }
0x5e: {  	[sflag:s0] =	ssyncadd.tile.s32 @!p0 $0x1;
	_ =	shalt  }
.Lfunc_end1:
_tile_overlayer_lowered:
.L_overlay_start_2:
0x5f: {  	(tag) =	ssettag $0x2  }
0x60: {  	s0 =	rddreg [dreg:$0x0];
	s2 =	stileid.u32  }
0x61: {  	s1 =	rddreg [dreg:$0x1];
	p0 =	sne.s32 s2, $0x0  }
0x62: {  	s3 =	rddreg [dreg:$0x2];
	[bflag:$0x3] =	sbarrier.arrive $0xFFFF;
	s2 =	simm.s32 @!p0 $0x1C01  }
0x63: {  	[timem:s3], [sflag:s2] =	dma.local @!p0 [hbm:s0], s1  }
0x64: {  	s0 =	simm.s32 @!p0 $0x1  }
0x65: {  	_ =	swait.ge @!p0 [sflag:s0], s1  }
0x66: {  	s1 =	ssub.s32 @!p0 $0x0, s1;
	[sflag:s0] =	ssyncset.done @!p0 $0x0  }
0x67: {  	[sflag:s0] =	ssyncadd.s32 @!p0 s1  }
0x68: {  	[bflag:$0x3] =	sbarrier.arrive $0xFFFF  }
0x69: {  	_ =	shalt  }

// kernel: sparse-core-data-format-call.cloned.1.call-start
scs
called_computation_lowered:
.L_overlay_start_0:
0x0: {  	s2 =	sld [smem:$0x3FD9]  }
0x1: {  	s3 =	sld [smem:$0x3FFE];
	_ =	sdelay $0x1  }
0x2: {  	s1 =	srdreg.scid  }
0x3: {  	s0 =	sand.u32 $0x1, s1  }
0x4: {  	s18 =	sshll.u32 s0, $0xA;
	s2 =	sadd.s32 s3, s2  }
0x5: {  	s2 =	sadd.s32 s2, s18  }
0x6: {  	[smem:$0x3FC6] =	sst s2  }
0x7: {  	_ = 	snop  }
0x8: {  	s2 =	sld [smem:$0x3FD0];
	(tm) =	ssettm $0x1  }
0x9: {  	s19 =	sld [smem:$0x3FFB];
	_ =	sdelay $0x3  }
0xa: {  	_ =	strace s19  }
0xb: {  	s3 =	sld [smem:$0x3FFC];
	_ =	sdelay $0x3  }
0xc: {  	_ =	strace s3  }
0xd: {  	s3 =	sld [smem:$0x3FFD];
	_ =	sdelay $0x3  }
0xe: {  	_ =	strace s3  }
0xf: {  	_ =	strace $0x8FFFFFFF  }
0x10: {  	s20 =	sld [smem:$0x3FDB];
	_ =	sdelay $0x1  }
0x11: {  	s4 =	simm.s32 $_scs_section_size  }
0x12: {  	s5 =	simm.s32 $_size__tile_overlayer_lowered;
	s6 =	simm.s32 $_tile_overlayer_lowered  }
0x13: {  	s23 =	simm.s32 $0x1BFF;
	s22 =	sshll.u32 s6, $0x1;
	s3 =	sadd.s32 s4, s20  }
0x14: {  	s7 =	simm.s32 $0x0;
	s21 =	sshll.u32 s5, $0x1;
	s5 =	sadd.s32 s22, s3  }
0x15: {  	[timem:s7], [sflag:s23] =	dma.local [hbm:s5], s21  }
0x16: {  	_ =	swait.ge [sflag:s23], s21  }
0x17: {  	s4 =	ssub.s32 $0x0, s21;
	[sflag:s23] =	ssyncset.done $0x0  }
0x18: {  	[sflag:s23] =	ssyncadd.s32 s4;
	_ =	sdelay $0x1  }
0x19: {  	s24 =	simm.s32 $0x1B8B  }
0x1a: {  	_ =	swait.ge [sflag:s24], $0x1  }
0x1b: {  	[sflag:s24] =	ssyncset.done $0x0  }
0x1c: {  	s26 =	simm.s32 $0x1B8E;
	s25 =	sld [smem:$0x3FFE];
	[sflag:s24] =	ssyncadd.s32 $0xFFFFFFFF  }
0x1d: {  	s27 =	simm.s32 $execute0_lowered;
	[smem:$0x3FD2] =	sst s26  }
0x1e: {  	s5 =	sshll.u32 s27, $0x1;
	_ =	strace $0x8000004C;
	[dreg:$0x1] =	wrdreg $0xFFFFFFFF  }
0x1f: {  	s28 =	simm.s32 $_size_execute0_lowered;
	s3 =	sadd.s32 s3, s5;
	[dreg:$0x0] =	wrdreg $0x0  }
0x20: {  	s5 =	sshll.u32 s28, $0x1;
	[dreg:$0x2] =	wrdreg s3  }
0x21: {  	[dreg:$0x3] =	wrdreg s5  }
0x22: {  	[dreg:$0x4] =	wrdreg $0xC0  }
0x23: {  	_ =	task [dreg:s7], $0x5FFFF  }
0x24: {  	[dreg:$0x1] =	wrdreg $0xFFFFFFFF  }
0x25: {  	[dreg:$0x0] =	wrdreg $0x60  }
0x26: {  	[dreg:$0x2] =	wrdreg s25  }
0x27: {  	[dreg:$0x3] =	wrdreg s2  }
0x28: {  	[dreg:$0x4] =	wrdreg $0x9  }
0x29: {  	_ =	task.clear_ibuf [dreg:s7], $0x5FFFF;
	_ =	strace $0x9000004C  }
0x2a: {  	s29 =	simm.s32 $0x9;
	_ =	strace $0x8000004E  }
0x2b: {  	_ =	swait.ge [sflag:s29], $0x1  }
0x2c: {  	[sflag:s29] =	ssyncadd.s32 $0xFFFFFFFF  }
0x2d: {  	_ =	strace $0x9000004E  }
0x2e: {  	_ =	sfence  }
0x2f: {  	s30 =	sld [smem:$0x0];
	_ =	sdelay $0x2  }
0x30: {  	s31 =	sshll.u32 s1, $0xD;
	s1 =	sshrl.u32 s1, $0x2  }
0x31: {  	s3 =	sand.u32 $0x4000, s31;
	s1 =	sadd.s32 s1, s30  }
0x32: {  	s0 =	sor.u32 s3, s0;
	s1 =	sshll.u32 s1, $0x11  }
0x33: {  	s0 =	sor.u32 s1, s0  }
0x34: {  	s0 =	sadd.s32 $0x8F2B, s0  }
0x35: {  	[sflag:s0] =	ssyncadd.remote.s32 $0x1  }
0x36: {  	_ =	sfence.sel $0xFFFF  }
0x37: {  	[dreg:$0x0] =	wrdreg $0xFFFFFFFF;
	(pc) =	sbr.abs _section_cstart, $3  }
0x38: {  	[dreg:$0x1] =	wrdreg $0xFFFFFFFF  }
0x39: {  	_ =	task.clear_ibuf [dreg:s7], $0x2FFFF;
	_ =	strace $0x9FFFFFFF  }
0x3a: {  	(tm) =	ssettm $0x7FFFFFFF  }
0x3b: {  	_ =	shalt  }
tec
execute0_lowered:
.L_overlay_start_1:
0x0: {  	(tag) =	ssettag $0x1  }
0x1: {  	s0 =	srdreg.scid  }
0x2: {  	s1 =	sshll.u32 s0, $0x4  }
0x3: {  	s0 =	stileid.u32;
	s1 =	sand.u32 $0x10, s1  }
0x4: {  	s1 =	sor.u32 s0, s1  }
0x5: {  	s6 =	rddreg [dreg:$0x0];
	s4 =	simm.s32 $0x1;
	s2 =	sshll.u32 s1, $0x7  }
0x6: {  	s7 =	simm.s32 $0x2;
	s12 =	simm.s32 $0x0;
	s1 =	ssub.s32 $0x1000, s2  }
0x7: {  	s8 =	simm.s32 $0x8000;
	s13 =	simm.s32 $0x0;
	s3 =	sand.u32 $0xF80, s1  }
0x8: {  	s9 =	simm.s32 $0x0;
	s5 =	sshrl.u32 s1, $0xC;
	p0 =	sne.s32 s3, $0x0  }
.Ltmp0:
0x9: {  	s1 =	rddreg [dreg:$0x2];
	s4 =	simm.s32 @!p0 $0x0;
	(pc) =	sbr.rel .LBB1_1-.Ltmp0, $4  }
0xa: {  	s11 =	simm.s32 $0x0;
	s3 =	rddreg [dreg:$0x1];
	s5 =	sadd.s32 s4, s5  }
0xb: {  	_ =	strace $0x8000004D;
	s4 =	simm.s32 $0x1;
	s5 =	smul.u32 $0xC8, s5  }
0xc: {  	s6 =	sadd.s32 $0xE00, s6;
	s10 =	smov.u32 s2;
	[sflag:s4] =	ssyncpa.u1 $0x0  }
0xd: {  	p0 =	por $0x0, $0x0;
	[sflag:s7] =	ssyncpa.u1 $0x0;
	s7 =	sor.u32 $0x1, s5  }
.LBB1_4:
0xe: {  	s16 =	sshll.u32 s13, $0x3;
	s17 =	sand.u32 $0x78, s13  }
0xf: {  	s30 =	sand.u32 $0x7E00, s13;
	s12 =	sshll.u32 s12, $0xF;
	s16 =	sand.u32 $0xC00, s16  }
0x10: {  	[tilespmem:s15+$0x810 ss:$0x81] =	vst.msk $0xffff, v2;
	s31 =	sand.u32 $0x7, s13;
	s16 =	sor.u32 s17, s16;
	s17 =	sadd.s32 s3, s30  }
0x11: {  	[tilespmem:s15+$0x1020 ss:$0x81] =	vst.msk $0xffff, v0;
	s13 =	sshll.u32 s31, $0x12;
	s12 =	sadd.s32 s12, s17;
	s16 =	sshrl.u32 s16, $0x3  }
0x12: {  	[tilespmem:s15+$0x0 ss:$0x81] =	vst.msk $0xffff, v1;
	s13 =	sor.u32 $0x400, s13;
	s12 =	sadd.s32 s16, s12  }
0x13: {  	[hbm4b:s12+s13] =	stream.strided.scatter [tilespmem:s14], [sflag:$0x2], $0x2000, s8, s13, $0x20;
	[tilespmem:$0x8080] =	vst v63  }
.LBB1_5:
0x14: {  	s14 =	sadd.s32 $0x1, s9  }
0x15: {  	s12 =	sadd.s32 $0x1000, s10;
	s16 =	smov.u32 s10;
	p2 =	sgt.s32 s14, $0xC7  }
0x16: {  	s16 =	smov.u32 @p2 s12  }
0x17: {  	s14 =	simm.s32 @p2 $0x0;
	p2 =	sgt.s32 s16, $0xFFF  }
0x18: {  	s16 =	smov.u32 @p2 s2;
	p2 =	sne.s32 s11, s7  }
.Ltmp1:
0x19: {  	p1 =	slt.u32 s11, $0x2;
	(pc) =	sbr.rel @!p2 .LBB1_6-.Ltmp1, $4  }
0x1a: {  	s15 =	simm.s32 @!p1 $0x2  }
0x1b: {  	s13 =	smov.u32 s10;
	p0 =	por !p0, !p0;
	_ =	swait.ge @!p1 [sflag:s15], $0x2000  }
0x1c: {  	s12 =	smov.u32 s9;
	[sflag:s15] =	ssyncset.done @!p1 $0x0;
	s9 =	smov.u32 s14  }
0x1d: {  	s11 =	sadd.s32 $0x1, s11;
	[sflag:s15] =	ssyncadd.s32 @!p1 $0xFFFFE000;
	s10 =	smov.u32 s16  }
.LBB1_1:
0x1e: {  	p1 =	sge.u32 s11, s5  }
0x1f: {  	s14 =	sand.u32 @!p1 $0x1FFFFFF, s9  }
0x20: {  	s15 =	smulhi.u32 @!p1 $0x147AE15, s14;
	_ =	sdelay $0x1  }
0x21: {  	s15 =	smul.u32 @!p1 $0xC8, s15  }
0x22: {  	s16 =	sxor.u32 @!p1 $0xFFFFFFFF, s11;
	s17 =	smul.u32 @!p1 $0xC80, s10  }
0x23: {  	s31 =	sadd.s32 $0xFFFFFFFF, s11;
	s16 =	sshll.u32 @!p1 s16, $0xD;
	s14 =	ssub.s32 @!p1 s14, s15  }
0x24: {  	s15 =	sand.u32 @!p1 $0x2000, s16;
	s16 =	sadd.s32 @!p1 s6, s17;
	s14 =	sshll.u32 @!p1 s14, $0x4  }
0x25: {  	s17 =	simm.s32 @!p1 $0x6400;
	s14 =	sadd.s32 @!p1 s14, s16;
	s16 =	simm.s32 @!p1 $0x40  }
0x26: {  	[tilespmem:s15], [sflag:$0x1] =	stream.strided.gather @!p1 [hbm4b:s14+s16], $0x2000, s17, s16, $0x38;
	[tilespmem:$0x8080] =	vst v63  }
0x27: {  	p1 =	sge.u32 s31, s5  }
.Ltmp2:
0x28: {  	_ = 	snop;
	(pc) =	sbr.rel @p1 .LBB1_5-.Ltmp2, $1  }
0x29: {  	_ =	sdelay $0x3  }
0x2a: {  	s14 =	simm.s32 $0x1  }
0x2b: {  	_ =	swait.ge [sflag:s4], $0x2000;
	s14 =	simm.s32 @!p0 $0x0  }
0x2c: {  	[sflag:s4] =	ssyncset.done $0x0;
	s15 =	sshll.u32 s14, $0xD  }
0x2d: {  	[sflag:s4] =	ssyncadd.s32 $0xFFFFE000;
	s18 =	sor.u32 $0x20, s15  }
0x2e: {  	s14 =	smul.u32 $0x8100, s14;
	v3 =	vld [tilespmem:s18+$0x10]  }
0x2f: {  	s30 =	sand.u32 $0x1, s11;
	v2 =	vld [tilespmem:s18+$0xFFFFFFF0]  }
0x30: {  	s15 =	smul.u32 $0x8100, s30;
	s14 =	sshrl.u32 s14, $0x2;
	v0 =	vld [tilespmem:s18+$0x0]  }
0x31: {  	v1 =	vld [tilespmem:s18+$0xFFFFFFE0];
	s16 =	sor.u32 $0x4000, s14  }
0x32: {  	s31 =	sshrl.u32 s15, $0x2;
	s15 =	sadd.s32 $0x0, s16  }
0x33: {  	s17 =	simm.s32 $0x4;
	s18 =	sadd.s32 $0x40, s18;
	s14 =	sor.u32 $0x4000, s31;
	[tilespmem:s15+$0x1830 ss:$0x81] =	vst.msk $0xffff, v3  }
.LBB1_3:
0x34: {  	v3 =	vld [tilespmem:s18+$0x10];
	p1 =	sne.s32 s17, $0x1FC;
	[tilespmem:s15+$0x810 ss:$0x81] =	vst.msk $0xffff, v2;
	s19 =	smov.u32 s17;
	s17 =	sadd.s32 $0x4, s17  }
.Ltmp3:
0x35: {  	v2 =	vld [tilespmem:s18+$0xFFFFFFF0];
	[tilespmem:s15+$0x1020 ss:$0x81] =	vst.msk $0xffff, v0;
	(pc) =	sbr.rel @p1 .LBB1_3-.Ltmp3, $4  }
0x36: {  	v0 =	vld [tilespmem:s18+$0x0];
	[tilespmem:s15+$0x0 ss:$0x81] =	vst.msk $0xffff, v1  }
0x37: {  	s15 =	sshra.s32 s19, $0x2;
	v1 =	vld [tilespmem:s18+$0xFFFFFFE0]  }
0x38: {  	s15 =	sadd.s32 s15, s16  }
0x39: {  	s18 =	sadd.s32 $0x40, s18;
	[tilespmem:s15+$0x1830 ss:$0x81] =	vst.msk $0xffff, v3  }
.Ltmp4:
0x3a: {  	_ = 	snop;
	(pc) =	sbr.rel .LBB1_4-.Ltmp4, $1  }
0x3b: {  	_ =	sdelay $0x3  }
.LBB1_6:
0x3c: {  	_ =	sfence.sel $0x180000  }
0x3d: {  	s2 =	simm.s32 $0x1;
	[bflag:$0x0] =	sbarrier.arrive $0xFFFF  }
0x3e: {  	s31 =	simm.s32 $0x2;
	[sflag:s2] =	ssyncpa.u1 $0x1  }
0x3f: {  	[sflag:s31] =	ssyncpa.u1 $0x1  }
0x40: {  	p0 =	sne.s32 s0, $0x0;
	_ =	strace $0x9000004D  }
0x41: {  	s0 =	sadd.s32 @!p0 $0x100000, s1;
	[bflag:$0x2] =	sbarrier.arrive $0xFFFF  }
0x42: {  	[sflag:s0] =	ssyncadd.tile.s32 @!p0 $0x1;
	_ =	shalt  }
.Lfunc_end1:
_tile_overlayer_lowered:
.L_overlay_start_2:
0x43: {  	(tag) =	ssettag $0x2  }
0x44: {  	s0 =	rddreg [dreg:$0x0];
	s2 =	stileid.u32  }
0x45: {  	s1 =	rddreg [dreg:$0x1];
	p0 =	sne.s32 s2, $0x0  }
0x46: {  	s3 =	rddreg [dreg:$0x2];
	[bflag:$0x3] =	sbarrier.arrive $0xFFFF;
	s2 =	simm.s32 @!p0 $0x1C01  }
0x47: {  	[timem:s3], [sflag:s2] =	dma.local @!p0 [hbm:s0], s1  }
0x48: {  	s0 =	simm.s32 @!p0 $0x1  }
0x49: {  	_ =	swait.ge @!p0 [sflag:s0], s1  }
0x4a: {  	s1 =	ssub.s32 @!p0 $0x0, s1;
	[sflag:s0] =	ssyncset.done @!p0 $0x0  }
0x4b: {  	[sflag:s0] =	ssyncadd.s32 @!p0 s1  }
0x4c: {  	[bflag:$0x3] =	sbarrier.arrive $0xFFFF  }
0x4d: {  	_ =	shalt  }

</sc_bundles>
